<compile_context>
chip_gen: v7x
topology: tpu7x:2x2x1
jax: 0.10.2.dev20260603
libtpu: 0.0.44.dev20260713+nightly
codegen_flags: <defaults>
</compile_context>

<pallas_src>
import functools

import jax
import jax.numpy as jnp
from jax import lax
from jax.experimental import pallas as pl
from jax.experimental.pallas import tpu as pltpu
from jax.experimental.pallas import tpu_sc as plsc

NC = 2
NS = 16
L = 16
NW = NC * NS

MAXQ = 31
LUT_SIZE = MAXQ + 1
BIG_LUT = 2048
OFFSET = BIG_LUT // 2


def _build_sc_call(N, K, R, unroll):
    rows_per_w = N // NW
    nblk = rows_per_w // R
    mesh = plsc.VectorSubcoreMesh(
        core_axis_name="c", subcore_axis_name="s", num_cores=NC,
        num_subcores=NS)

    @functools.partial(
        pl.kernel,
        out_type=jax.ShapeDtypeStruct((N, K), jnp.float32),
        mesh=mesh,
        compiler_params=pltpu.CompilerParams(needs_layout_passes=False),
        scratch_types=dict(
            lut_v=pltpu.VMEM((BIG_LUT,), jnp.float32),
            sc_v=pltpu.VMEM((rows_per_w,), jnp.float32),
            rs_v=pltpu.VMEM((rows_per_w,), jnp.float32),
            zr_v=pltpu.VMEM((rows_per_w,), jnp.float32),
            inb=[pltpu.VMEM((R, K), jnp.float32) for _ in range(2)],
            outb=[pltpu.VMEM((R, K), jnp.float32) for _ in range(2)],
            insem=[pltpu.SemaphoreType.DMA for _ in range(2)],
            outsem=[pltpu.SemaphoreType.DMA for _ in range(2)],
        ),
    )
    def sc_quant(x_hbm, scale_hbm, rscale_hbm, zero_hbm, lut_hbm, out_hbm,
                 *, lut_v, sc_v, rs_v, zr_v, inb, outb, insem, outsem):
        wid = lax.axis_index("s") * NC + lax.axis_index("c")
        base_row = wid * rows_per_w

        pltpu.sync_copy(scale_hbm.at[pl.ds(base_row, rows_per_w)], sc_v)
        pltpu.sync_copy(rscale_hbm.at[pl.ds(base_row, rows_per_w)], rs_v)
        pltpu.sync_copy(zero_hbm.at[pl.ds(base_row, rows_per_w)], zr_v)
        pltpu.sync_copy(lut_hbm, lut_v)

        def bcast(ref, i):
            idx = jnp.full((L,), i, dtype=jnp.int32)
            return plsc.load_gather(ref, [idx])

        def in_start(blk, s):
            pltpu.async_copy(
                x_hbm.at[pl.ds(base_row + blk * R, R)], inb[s], insem[s])

        def in_wait(s):
            pltpu.make_async_copy(
                x_hbm.at[pl.ds(0, R)], inb[s], insem[s]).wait()

        def out_start(blk, s):
            pltpu.async_copy(
                outb[s], out_hbm.at[pl.ds(base_row + blk * R, R)],
                outsem[s])

        def out_wait(s):
            pltpu.make_async_copy(
                outb[s], out_hbm.at[pl.ds(0, R)], outsem[s]).wait()

        in_start(0, 0)
        in_start(1, 1)

        @pl.loop(0, nblk, step=2)
        def _pair(bp):
            for s in range(2):
                blk = bp + s
                in_wait(s)

                @pl.when(bp >= 2)
                def _():
                    out_wait(s)

                for r in range(R):
                    row_local = blk * R + r
                    sv = bcast(sc_v, row_local)
                    zv = bcast(zr_v, row_local)
                    rsv = bcast(rs_v, row_local)
                    cv = (OFFSET + 0.5) - zv * rsv

                    @plsc.parallel_loop(0, K // L, 1, unroll=unroll)
                    def _chunk(c):
                        xv = inb[s][r, pl.ds(c * L, L)]
                        t = xv * rsv + cv
                        qi = t.astype(jnp.int32)
                        nl = plsc.load_gather(lut_v, [qi])
                        outb[s][r, pl.ds(c * L, L)] = nl * sv + zv

                out_start(blk, s)

                @pl.when(blk + 2 < nblk)
                def _():
                    in_start(blk + 2, s)

        out_wait(0)
        out_wait(1)

    return sc_quant


@functools.lru_cache(maxsize=None)
def _get_call(N, K):
    return jax.jit(_build_sc_call(N, K, R=4, unroll=8))


def kernel(x, scale, zero, choice_bits):
    scale = scale.astype(jnp.float32)
    zero = zero.astype(jnp.float32)
    rscale = 1.0 / scale
    cb = choice_bits.astype(jnp.float32)
    grid = jnp.clip(jnp.arange(BIG_LUT, dtype=jnp.float32) - OFFSET,
                    0.0, float(MAXQ))
    lut = jnp.broadcast_to(cb[0], grid.shape)
    best = jnp.abs(grid - cb[0])
    for j in range(1, cb.shape[0]):
        dj = jnp.abs(grid - cb[j])
        lut = jnp.where(dj < best, cb[j], lut)
        best = jnp.minimum(dj, best)
    call = _get_call(x.shape[0], x.shape[1])
    return call(x.astype(jnp.float32), scale, rscale, zero, lut)

# --- scband reference (transcript-rebuilt; emitter-appended) ---
"""Pipeline reference for scband-non-linear-quantizer-22548578304013 (READ-ONLY COPY).

The authoritative reference and input builder live on the scoring server;
editing this copy changes nothing except your own understanding.
"""

import jax, jax.numpy as jnp
import numpy as np
from itertools import combinations


def get_all_choice(origin_bits=5, target_bits=3):
    all_alpha = [2 ** i for i in range(origin_bits - 2, -2, -1)]
    all_choice = []
    for each_alpha_choice in combinations(all_alpha, target_bits):
        choice = [(2 ** origin_bits - 1) / 2]
        number_temp = []
        for alpha in each_alpha_choice:
            for each_number in choice:
                number_temp.append(each_number + alpha)
                number_temp.append(each_number - alpha)
            choice = number_temp
            number_temp = []
        all_choice.append(choice)
    return all_choice


def setup_inputs(seed: int = 0) -> dict:
    key = jax.random.key(seed)
    k1, k2, k3 = jax.random.split(key, 3)
    N, K = 2048, 4096
    x = jax.random.normal(k1, (N, K), dtype=jnp.float32)
    # per-row scale/zero buffers (as produced by find_params); scale must be nonzero
    scale = jax.random.uniform(k2, (N,), dtype=jnp.float32) * 0.05 + 0.01
    zero = jax.random.normal(k3, (N,), dtype=jnp.float32) * 0.01
    # non-linear codebook: first combination from get_all_choice(hyperbits=5, wbits=3) -> 2^3 = 8 levels
    choice_bits = jnp.asarray(get_all_choice(origin_bits=5, target_bits=3)[0], dtype=jnp.float32)
    return {"x": x, "scale": scale, "zero": zero, "choice_bits": choice_bits}


def reference(x, scale, zero, choice_bits):
    maxq = jnp.float32(2 ** 5 - 1)  # hyperbits = 5
    # quantize(x, scale, zero, maxq)
    q = jnp.clip(jnp.round((x - zero[:, None]) / scale[:, None]), 0.0, maxq)
    # nearest_value(q, choice_bits): snap each quantized value to nearest codebook level
    flat = q.reshape(-1, 1)
    diff = jnp.abs(flat - choice_bits[None, :])
    nearest_indices = jnp.argmin(diff, axis=1)
    q_nl = jnp.take(choice_bits, nearest_indices, axis=0).reshape(x.shape)
    # de_quantize
    dq = scale[:, None] * q_nl + zero[:, None]
    return dq

if __name__ == "__main__":
    import jax
    _d = setup_inputs()
    print(jax.jit(kernel)(*tuple(_d.values())))

</pallas_src>

<mosaic_0001>
#map = affine_map<(d0, d1) -> (0, 0)>
#map1 = affine_map<(d0, d1) -> (0)>
module attributes {stable_mosaic.version = 14 : i64} {
  func.func @sc_quant(%arg0: i32, %arg1: i32, %arg2: memref<2048x4096xf32, #tpu.memory_space<hbm>>, %arg3: memref<2048xf32, #tpu.memory_space<hbm>>, %arg4: memref<2048xf32, #tpu.memory_space<hbm>>, %arg5: memref<2048xf32, #tpu.memory_space<hbm>>, %arg6: memref<2048xf32, #tpu.memory_space<hbm>>, %arg7: memref<2048x4096xf32, #tpu.memory_space<hbm>>, %arg8: memref<4x4096xf32, #tpu.memory_space<vmem>>, %arg9: memref<4x4096xf32, #tpu.memory_space<vmem>>, %arg10: memref<!tpu.dma_semaphore, #tpu.memory_space<semaphore_mem>>, %arg11: memref<!tpu.dma_semaphore, #tpu.memory_space<semaphore_mem>>, %arg12: memref<2048xf32, #tpu.memory_space<vmem>>, %arg13: memref<4x4096xf32, #tpu.memory_space<vmem>>, %arg14: memref<4x4096xf32, #tpu.memory_space<vmem>>, %arg15: memref<!tpu.dma_semaphore, #tpu.memory_space<semaphore_mem>>, %arg16: memref<!tpu.dma_semaphore, #tpu.memory_space<semaphore_mem>>, %arg17: memref<64xf32, #tpu.memory_space<vmem>>, %arg18: memref<64xf32, #tpu.memory_space<vmem>>, %arg19: memref<64xf32, #tpu.memory_space<vmem>>) attributes {dimension_semantics = [#tpu.dimension_semantics<core_parallel>, #tpu.dimension_semantics<subcore_parallel>], iteration_bounds = array<i64: 2, 16>, scalar_prefetch = 0 : i64, scratch_operands = 12 : i64, tpu.core_type = #tpu.core_type<sc_vector_subcore>, window_params = [{transform_indices = #map}, {transform_indices = #map1}, {transform_indices = #map1}, {transform_indices = #map1}, {transform_indices = #map1}, {transform_indices = #map}]} {
    %mul3A = arith.constant 2 : i32
    %mul3A_0 = arith.muli %arg1, %mul3A : i32
    %add3A = arith.addi %mul3A_0, %arg0 : i32
    %mul3A_1 = arith.constant 64 : i32
    %mul3A_2 = arith.muli %add3A, %mul3A_1 : i32
    "tpu.region"() ({
      %run_scoped3A = tpu.sem_alloc : memref<!tpu.dma_semaphore, #tpu.memory_space<semaphore_mem>>
      %dma_start3A_29 = tpu.memref_slice %arg3[%mul3A_2] : memref<2048xf32, #tpu.memory_space<hbm>> -> memref<64xf32, #tpu.memory_space<hbm>>
      %dma_start3A_30 = tpu.memref_slice %arg3[%mul3A_2] : memref<2048xf32, #tpu.memory_space<hbm>> -> memref<64xf32, #tpu.memory_space<hbm>>
      tpu.enqueue_dma source(%dma_start3A_30 : memref<64xf32, #tpu.memory_space<hbm>>) target(%arg18 : memref<64xf32, #tpu.memory_space<vmem>>) target_semaphore(%run_scoped3A : memref<!tpu.dma_semaphore, #tpu.memory_space<semaphore_mem>>)
      %dma_wait3A_31 = tpu.memref_slice %arg3[%mul3A_2] : memref<2048xf32, #tpu.memory_space<hbm>> -> memref<64xf32, #tpu.memory_space<hbm>>
      %dma_wait3A_32 = tpu.memref_slice %arg3[%mul3A_2] : memref<2048xf32, #tpu.memory_space<hbm>> -> memref<64xf32, #tpu.memory_space<hbm>>
      tpu.wait_dma2 semaphore(%run_scoped3A : memref<!tpu.dma_semaphore, #tpu.memory_space<semaphore_mem>>) src(%dma_wait3A_32 : memref<64xf32, #tpu.memory_space<hbm>>) dst(%arg18 : memref<64xf32, #tpu.memory_space<vmem>>)
      tpu.yield
    }) : () -> ()
    "tpu.region"() ({
      %run_scoped3A = tpu.sem_alloc : memref<!tpu.dma_semaphore, #tpu.memory_space<semaphore_mem>>
      %dma_start3A_29 = tpu.memref_slice %arg4[%mul3A_2] : memref<2048xf32, #tpu.memory_space<hbm>> -> memref<64xf32, #tpu.memory_space<hbm>>
      %dma_start3A_30 = tpu.memref_slice %arg4[%mul3A_2] : memref<2048xf32, #tpu.memory_space<hbm>> -> memref<64xf32, #tpu.memory_space<hbm>>
      tpu.enqueue_dma source(%dma_start3A_30 : memref<64xf32, #tpu.memory_space<hbm>>) target(%arg17 : memref<64xf32, #tpu.memory_space<vmem>>) target_semaphore(%run_scoped3A : memref<!tpu.dma_semaphore, #tpu.memory_space<semaphore_mem>>)
      %dma_wait3A_31 = tpu.memref_slice %arg4[%mul3A_2] : memref<2048xf32, #tpu.memory_space<hbm>> -> memref<64xf32, #tpu.memory_space<hbm>>
      %dma_wait3A_32 = tpu.memref_slice %arg4[%mul3A_2] : memref<2048xf32, #tpu.memory_space<hbm>> -> memref<64xf32, #tpu.memory_space<hbm>>
      tpu.wait_dma2 semaphore(%run_scoped3A : memref<!tpu.dma_semaphore, #tpu.memory_space<semaphore_mem>>) src(%dma_wait3A_32 : memref<64xf32, #tpu.memory_space<hbm>>) dst(%arg17 : memref<64xf32, #tpu.memory_space<vmem>>)
      tpu.yield
    }) : () -> ()
    "tpu.region"() ({
      %run_scoped3A = tpu.sem_alloc : memref<!tpu.dma_semaphore, #tpu.memory_space<semaphore_mem>>
      %dma_start3A_29 = tpu.memref_slice %arg5[%mul3A_2] : memref<2048xf32, #tpu.memory_space<hbm>> -> memref<64xf32, #tpu.memory_space<hbm>>
      %dma_start3A_30 = tpu.memref_slice %arg5[%mul3A_2] : memref<2048xf32, #tpu.memory_space<hbm>> -> memref<64xf32, #tpu.memory_space<hbm>>
      tpu.enqueue_dma source(%dma_start3A_30 : memref<64xf32, #tpu.memory_space<hbm>>) target(%arg19 : memref<64xf32, #tpu.memory_space<vmem>>) target_semaphore(%run_scoped3A : memref<!tpu.dma_semaphore, #tpu.memory_space<semaphore_mem>>)
      %dma_wait3A_31 = tpu.memref_slice %arg5[%mul3A_2] : memref<2048xf32, #tpu.memory_space<hbm>> -> memref<64xf32, #tpu.memory_space<hbm>>
      %dma_wait3A_32 = tpu.memref_slice %arg5[%mul3A_2] : memref<2048xf32, #tpu.memory_space<hbm>> -> memref<64xf32, #tpu.memory_space<hbm>>
      tpu.wait_dma2 semaphore(%run_scoped3A : memref<!tpu.dma_semaphore, #tpu.memory_space<semaphore_mem>>) src(%dma_wait3A_32 : memref<64xf32, #tpu.memory_space<hbm>>) dst(%arg19 : memref<64xf32, #tpu.memory_space<vmem>>)
      tpu.yield
    }) : () -> ()
    "tpu.region"() ({
      %run_scoped3A = tpu.sem_alloc : memref<!tpu.dma_semaphore, #tpu.memory_space<semaphore_mem>>
      tpu.enqueue_dma source(%arg6 : memref<2048xf32, #tpu.memory_space<hbm>>) target(%arg12 : memref<2048xf32, #tpu.memory_space<vmem>>) target_semaphore(%run_scoped3A : memref<!tpu.dma_semaphore, #tpu.memory_space<semaphore_mem>>)
      tpu.wait_dma2 semaphore(%run_scoped3A : memref<!tpu.dma_semaphore, #tpu.memory_space<semaphore_mem>>) src(%arg6 : memref<2048xf32, #tpu.memory_space<hbm>>) dst(%arg12 : memref<2048xf32, #tpu.memory_space<vmem>>)
      tpu.yield
    }) : () -> ()
    %add3A_3 = arith.constant 0 : i32
    %add3A_4 = arith.addi %mul3A_2, %add3A_3 : i32
    %dma_start3A = arith.constant 0 : i32
    %dma_start3A_5 = tpu.memref_slice %arg2[%add3A_4, %dma_start3A] : memref<2048x4096xf32, #tpu.memory_space<hbm>> -> memref<4x4096xf32, #tpu.memory_space<hbm>>
    %dma_start3A_6 = arith.constant 0 : i32
    %dma_start3A_7 = tpu.memref_slice %arg2[%add3A_4, %dma_start3A_6] : memref<2048x4096xf32, #tpu.memory_space<hbm>> -> memref<4x4096xf32, #tpu.memory_space<hbm>>
    tpu.enqueue_dma source(%dma_start3A_7 : memref<4x4096xf32, #tpu.memory_space<hbm>>) target(%arg8 : memref<4x4096xf32, #tpu.memory_space<vmem>>) target_semaphore(%arg10 : memref<!tpu.dma_semaphore, #tpu.memory_space<semaphore_mem>>)
    %add3A_8 = arith.constant 4 : i32
    %add3A_9 = arith.addi %mul3A_2, %add3A_8 : i32
    %dma_start3A_10 = arith.constant 0 : i32
    %dma_start3A_11 = tpu.memref_slice %arg2[%add3A_9, %dma_start3A_10] : memref<2048x4096xf32, #tpu.memory_space<hbm>> -> memref<4x4096xf32, #tpu.memory_space<hbm>>
    %dma_start3A_12 = arith.constant 0 : i32
    %dma_start3A_13 = tpu.memref_slice %arg2[%add3A_9, %dma_start3A_12] : memref<2048x4096xf32, #tpu.memory_space<hbm>> -> memref<4x4096xf32, #tpu.memory_space<hbm>>
    tpu.enqueue_dma source(%dma_start3A_13 : memref<4x4096xf32, #tpu.memory_space<hbm>>) target(%arg9 : memref<4x4096xf32, #tpu.memory_space<vmem>>) target_semaphore(%arg11 : memref<!tpu.dma_semaphore, #tpu.memory_space<semaphore_mem>>)
    %scan3A = arith.constant 0 : i32
    %scan3A_14 = arith.constant 8 : i32
    %scan3A_15 = arith.addi %scan3A, %scan3A_14 : i32
    %scan3A_16 = arith.constant 1 : i32
    scf.for %scan3A_29 = %scan3A to %scan3A_15 step %scan3A_16  : i32 {
      %mul3A_30 = arith.constant 2 : i32
      %mul3A_31 = arith.muli %scan3A_29, %mul3A_30 : i32
      %add3A_32 = arith.constant 0 : i32
      %add3A_33 = arith.addi %add3A_32, %mul3A_31 : i32
      %add3A_34 = arith.constant 0 : i32
      %add3A_35 = arith.addi %add3A_33, %add3A_34 : i32
      %dma_wait3A_36 = arith.constant 0 : i32
      %dma_wait3A_37 = arith.constant 0 : i32
      %dma_wait3A_38 = tpu.memref_slice %arg2[%dma_wait3A_36, %dma_wait3A_37] : memref<2048x4096xf32, #tpu.memory_space<hbm>> -> memref<4x4096xf32, #tpu.memory_space<hbm>>
      %dma_wait3A_39 = arith.constant 0 : i32
      %dma_wait3A_40 = arith.constant 0 : i32
      %dma_wait3A_41 = tpu.memref_slice %arg2[%dma_wait3A_39, %dma_wait3A_40] : memref<2048x4096xf32, #tpu.memory_space<hbm>> -> memref<4x4096xf32, #tpu.memory_space<hbm>>
      tpu.wait_dma2 semaphore(%arg10 : memref<!tpu.dma_semaphore, #tpu.memory_space<semaphore_mem>>) src(%dma_wait3A_41 : memref<4x4096xf32, #tpu.memory_space<hbm>>) dst(%arg8 : memref<4x4096xf32, #tpu.memory_space<vmem>>)
      %ge3A = arith.constant 2 : i32
      %ge3A_42 = arith.cmpi sge, %add3A_33, %ge3A : i32
      %convert_element_type3A = arith.extui %ge3A_42 : i1 to i32
      %cond3A = arith.constant 0 : i32
      %cond3A_43 = arith.cmpi ne, %convert_element_type3A, %cond3A : i32
      scf.if %cond3A_43 {
        %dma_wait3A_216 = arith.constant 0 : i32
        %dma_wait3A_217 = arith.constant 0 : i32
        %dma_wait3A_218 = tpu.memref_slice %arg7[%dma_wait3A_216, %dma_wait3A_217] : memref<2048x4096xf32, #tpu.memory_space<hbm>> -> memref<4x4096xf32, #tpu.memory_space<hbm>>
        %dma_wait3A_219 = arith.constant 0 : i32
        %dma_wait3A_220 = arith.constant 0 : i32
        %dma_wait3A_221 = tpu.memref_slice %arg7[%dma_wait3A_219, %dma_wait3A_220] : memref<2048x4096xf32, #tpu.memory_space<hbm>> -> memref<4x4096xf32, #tpu.memory_space<hbm>>
        tpu.wait_dma2 semaphore(%arg15 : memref<!tpu.dma_semaphore, #tpu.memory_space<semaphore_mem>>) src(%arg13 : memref<4x4096xf32, #tpu.memory_space<vmem>>) dst(%dma_wait3A_221 : memref<4x4096xf32, #tpu.memory_space<hbm>>)
      } else {
      }
      %mul3A_44 = arith.constant 4 : i32
      %mul3A_45 = arith.muli %add3A_35, %mul3A_44 : i32
      %add3A_46 = arith.constant 0 : i32
      %add3A_47 = arith.addi %mul3A_45, %add3A_46 : i32
      %broadcast_in_dim3A = vector.broadcast %add3A_47 : i32 to vector<16xi32>
      %gather3A = tpu.vector_load_idx %arg18[%broadcast_in_dim3A] : memref<64xf32, #tpu.memory_space<vmem>>[vector<16xi32>], vector<16xf32>,
      %broadcast_in_dim3A_48 = vector.broadcast %add3A_47 : i32 to vector<16xi32>
      %gather3A_49 = tpu.vector_load_idx %arg19[%broadcast_in_dim3A_48] : memref<64xf32, #tpu.memory_space<vmem>>[vector<16xi32>], vector<16xf32>,
      %broadcast_in_dim3A_50 = vector.broadcast %add3A_47 : i32 to vector<16xi32>
      %gather3A_51 = tpu.vector_load_idx %arg17[%broadcast_in_dim3A_50] : memref<64xf32, #tpu.memory_space<vmem>>[vector<16xi32>], vector<16xf32>,
      %mul3A_52 = arith.mulf %gather3A_49, %gather3A_51 : vector<16xf32>
      %sub3A = arith.constant 1.024500e+03 : f32
      %sub3A_53 = vector.broadcast %sub3A : f32 to vector<16xf32>
      %sub3A_54 = arith.subf %sub3A_53, %mul3A_52 : vector<16xf32>
      %parallel_loop3A = arith.constant 0 : i32
      %parallel_loop3A_55 = arith.constant 256 : i32
      %parallel_loop3A_56 = arith.constant 1 : i32
      scf.for %parallel_loop3A_216 = %parallel_loop3A to %parallel_loop3A_55 step %parallel_loop3A_56  : i32 {
        %parallel_loop3A_217 = arith.constant 16 : i32
        %parallel_loop3A_218 = arith.muli %parallel_loop3A_216, %parallel_loop3A_217 : i32
        %parallel_loop3A_219 = arith.constant 0 : i32
        %parallel_loop3A_220 = arith.index_cast %parallel_loop3A_219 : i32 to index
        %parallel_loop3A_221 = arith.index_cast %parallel_loop3A_218 : i32 to index
        %parallel_loop3A_222 = tpu.vector_load %arg8[%parallel_loop3A_220, %parallel_loop3A_221] {strides = array<i32>} : memref<4x4096xf32, #tpu.memory_space<vmem>>, vector<16xf32>,
        %parallel_loop3A_223 = arith.mulf %parallel_loop3A_222, %gather3A_51 : vector<16xf32>
        %parallel_loop3A_224 = arith.addf %parallel_loop3A_223, %sub3A_54 : vector<16xf32>
        %parallel_loop3A_225 = arith.fptosi %parallel_loop3A_224 : vector<16xf32> to vector<16xi32>
        %parallel_loop3A_226 = tpu.vector_load_idx %arg12[%parallel_loop3A_225] : memref<2048xf32, #tpu.memory_space<vmem>>[vector<16xi32>], vector<16xf32>,
        %parallel_loop3A_227 = arith.mulf %parallel_loop3A_226, %gather3A : vector<16xf32>
        %parallel_loop3A_228 = arith.addf %parallel_loop3A_227, %gather3A_49 : vector<16xf32>
        %parallel_loop3A_229 = arith.constant 16 : i32
        %parallel_loop3A_230 = arith.muli %parallel_loop3A_216, %parallel_loop3A_229 : i32
        %parallel_loop3A_231 = arith.constant 0 : i32
        %parallel_loop3A_232 = arith.index_cast %parallel_loop3A_231 : i32 to index
        %parallel_loop3A_233 = arith.index_cast %parallel_loop3A_230 : i32 to index
        %parallel_loop3A_234 = tpu.vector_load %arg13[%parallel_loop3A_232, %parallel_loop3A_233] {strides = array<i32>} : memref<4x4096xf32, #tpu.memory_space<vmem>>, vector<16xf32>,
        tpu.vector_store %arg13[%parallel_loop3A_232, %parallel_loop3A_233], %parallel_loop3A_228 {strides = array<i32>} : memref<4x4096xf32, #tpu.memory_space<vmem>>, vector<16xf32>,
      } {sc.loop_unroll_factor = 8 : i64, sc.parallel_access}
      %mul3A_57 = arith.constant 4 : i32
      %mul3A_58 = arith.muli %add3A_35, %mul3A_57 : i32
      %add3A_59 = arith.constant 1 : i32
      %add3A_60 = arith.addi %mul3A_58, %add3A_59 : i32
      %broadcast_in_dim3A_61 = vector.broadcast %add3A_60 : i32 to vector<16xi32>
      %gather3A_62 = tpu.vector_load_idx %arg18[%broadcast_in_dim3A_61] : memref<64xf32, #tpu.memory_space<vmem>>[vector<16xi32>], vector<16xf32>,
      %broadcast_in_dim3A_63 = vector.broadcast %add3A_60 : i32 to vector<16xi32>
      %gather3A_64 = tpu.vector_load_idx %arg19[%broadcast_in_dim3A_63] : memref<64xf32, #tpu.memory_space<vmem>>[vector<16xi32>], vector<16xf32>,
      %broadcast_in_dim3A_65 = vector.broadcast %add3A_60 : i32 to vector<16xi32>
      %gather3A_66 = tpu.vector_load_idx %arg17[%broadcast_in_dim3A_65] : memref<64xf32, #tpu.memory_space<vmem>>[vector<16xi32>], vector<16xf32>,
      %mul3A_67 = arith.mulf %gather3A_64, %gather3A_66 : vector<16xf32>
      %sub3A_68 = arith.constant 1.024500e+03 : f32
      %sub3A_69 = vector.broadcast %sub3A_68 : f32 to vector<16xf32>
      %sub3A_70 = arith.subf %sub3A_69, %mul3A_67 : vector<16xf32>
      %parallel_loop3A_71 = arith.constant 0 : i32
      %parallel_loop3A_72 = arith.constant 256 : i32
      %parallel_loop3A_73 = arith.constant 1 : i32
      scf.for %parallel_loop3A_216 = %parallel_loop3A_71 to %parallel_loop3A_72 step %parallel_loop3A_73  : i32 {
        %parallel_loop3A_217 = arith.constant 16 : i32
        %parallel_loop3A_218 = arith.muli %parallel_loop3A_216, %parallel_loop3A_217 : i32
        %parallel_loop3A_219 = arith.constant 1 : i32
        %parallel_loop3A_220 = arith.index_cast %parallel_loop3A_219 : i32 to index
        %parallel_loop3A_221 = arith.index_cast %parallel_loop3A_218 : i32 to index
        %parallel_loop3A_222 = tpu.vector_load %arg8[%parallel_loop3A_220, %parallel_loop3A_221] {strides = array<i32>} : memref<4x4096xf32, #tpu.memory_space<vmem>>, vector<16xf32>,
        %parallel_loop3A_223 = arith.mulf %parallel_loop3A_222, %gather3A_66 : vector<16xf32>
        %parallel_loop3A_224 = arith.addf %parallel_loop3A_223, %sub3A_70 : vector<16xf32>
        %parallel_loop3A_225 = arith.fptosi %parallel_loop3A_224 : vector<16xf32> to vector<16xi32>
        %parallel_loop3A_226 = tpu.vector_load_idx %arg12[%parallel_loop3A_225] : memref<2048xf32, #tpu.memory_space<vmem>>[vector<16xi32>], vector<16xf32>,
        %parallel_loop3A_227 = arith.mulf %parallel_loop3A_226, %gather3A_62 : vector<16xf32>
        %parallel_loop3A_228 = arith.addf %parallel_loop3A_227, %gather3A_64 : vector<16xf32>
        %parallel_loop3A_229 = arith.constant 16 : i32
        %parallel_loop3A_230 = arith.muli %parallel_loop3A_216, %parallel_loop3A_229 : i32
        %parallel_loop3A_231 = arith.constant 1 : i32
        %parallel_loop3A_232 = arith.index_cast %parallel_loop3A_231 : i32 to index
        %parallel_loop3A_233 = arith.index_cast %parallel_loop3A_230 : i32 to index
        %parallel_loop3A_234 = tpu.vector_load %arg13[%parallel_loop3A_232, %parallel_loop3A_233] {strides = array<i32>} : memref<4x4096xf32, #tpu.memory_space<vmem>>, vector<16xf32>,
        tpu.vector_store %arg13[%parallel_loop3A_232, %parallel_loop3A_233], %parallel_loop3A_228 {strides = array<i32>} : memref<4x4096xf32, #tpu.memory_space<vmem>>, vector<16xf32>,
      } {sc.loop_unroll_factor = 8 : i64, sc.parallel_access}
      %mul3A_74 = arith.constant 4 : i32
      %mul3A_75 = arith.muli %add3A_35, %mul3A_74 : i32
      %add3A_76 = arith.constant 2 : i32
      %add3A_77 = arith.addi %mul3A_75, %add3A_76 : i32
      %broadcast_in_dim3A_78 = vector.broadcast %add3A_77 : i32 to vector<16xi32>
      %gather3A_79 = tpu.vector_load_idx %arg18[%broadcast_in_dim3A_78] : memref<64xf32, #tpu.memory_space<vmem>>[vector<16xi32>], vector<16xf32>,
      %broadcast_in_dim3A_80 = vector.broadcast %add3A_77 : i32 to vector<16xi32>
      %gather3A_81 = tpu.vector_load_idx %arg19[%broadcast_in_dim3A_80] : memref<64xf32, #tpu.memory_space<vmem>>[vector<16xi32>], vector<16xf32>,
      %broadcast_in_dim3A_82 = vector.broadcast %add3A_77 : i32 to vector<16xi32>
      %gather3A_83 = tpu.vector_load_idx %arg17[%broadcast_in_dim3A_82] : memref<64xf32, #tpu.memory_space<vmem>>[vector<16xi32>], vector<16xf32>,
      %mul3A_84 = arith.mulf %gather3A_81, %gather3A_83 : vector<16xf32>
      %sub3A_85 = arith.constant 1.024500e+03 : f32
      %sub3A_86 = vector.broadcast %sub3A_85 : f32 to vector<16xf32>
      %sub3A_87 = arith.subf %sub3A_86, %mul3A_84 : vector<16xf32>
      %parallel_loop3A_88 = arith.constant 0 : i32
      %parallel_loop3A_89 = arith.constant 256 : i32
      %parallel_loop3A_90 = arith.constant 1 : i32
      scf.for %parallel_loop3A_216 = %parallel_loop3A_88 to %parallel_loop3A_89 step %parallel_loop3A_90  : i32 {
        %parallel_loop3A_217 = arith.constant 16 : i32
        %parallel_loop3A_218 = arith.muli %parallel_loop3A_216, %parallel_loop3A_217 : i32
        %parallel_loop3A_219 = arith.constant 2 : i32
        %parallel_loop3A_220 = arith.index_cast %parallel_loop3A_219 : i32 to index
        %parallel_loop3A_221 = arith.index_cast %parallel_loop3A_218 : i32 to index
        %parallel_loop3A_222 = tpu.vector_load %arg8[%parallel_loop3A_220, %parallel_loop3A_221] {strides = array<i32>} : memref<4x4096xf32, #tpu.memory_space<vmem>>, vector<16xf32>,
        %parallel_loop3A_223 = arith.mulf %parallel_loop3A_222, %gather3A_83 : vector<16xf32>
        %parallel_loop3A_224 = arith.addf %parallel_loop3A_223, %sub3A_87 : vector<16xf32>
        %parallel_loop3A_225 = arith.fptosi %parallel_loop3A_224 : vector<16xf32> to vector<16xi32>
        %parallel_loop3A_226 = tpu.vector_load_idx %arg12[%parallel_loop3A_225] : memref<2048xf32, #tpu.memory_space<vmem>>[vector<16xi32>], vector<16xf32>,
        %parallel_loop3A_227 = arith.mulf %parallel_loop3A_226, %gather3A_79 : vector<16xf32>
        %parallel_loop3A_228 = arith.addf %parallel_loop3A_227, %gather3A_81 : vector<16xf32>
        %parallel_loop3A_229 = arith.constant 16 : i32
        %parallel_loop3A_230 = arith.muli %parallel_loop3A_216, %parallel_loop3A_229 : i32
        %parallel_loop3A_231 = arith.constant 2 : i32
        %parallel_loop3A_232 = arith.index_cast %parallel_loop3A_231 : i32 to index
        %parallel_loop3A_233 = arith.index_cast %parallel_loop3A_230 : i32 to index
        %parallel_loop3A_234 = tpu.vector_load %arg13[%parallel_loop3A_232, %parallel_loop3A_233] {strides = array<i32>} : memref<4x4096xf32, #tpu.memory_space<vmem>>, vector<16xf32>,
        tpu.vector_store %arg13[%parallel_loop3A_232, %parallel_loop3A_233], %parallel_loop3A_228 {strides = array<i32>} : memref<4x4096xf32, #tpu.memory_space<vmem>>, vector<16xf32>,
      } {sc.loop_unroll_factor = 8 : i64, sc.parallel_access}
      %mul3A_91 = arith.constant 4 : i32
      %mul3A_92 = arith.muli %add3A_35, %mul3A_91 : i32
      %add3A_93 = arith.constant 3 : i32
      %add3A_94 = arith.addi %mul3A_92, %add3A_93 : i32
      %broadcast_in_dim3A_95 = vector.broadcast %add3A_94 : i32 to vector<16xi32>
      %gather3A_96 = tpu.vector_load_idx %arg18[%broadcast_in_dim3A_95] : memref<64xf32, #tpu.memory_space<vmem>>[vector<16xi32>], vector<16xf32>,
      %broadcast_in_dim3A_97 = vector.broadcast %add3A_94 : i32 to vector<16xi32>
      %gather3A_98 = tpu.vector_load_idx %arg19[%broadcast_in_dim3A_97] : memref<64xf32, #tpu.memory_space<vmem>>[vector<16xi32>], vector<16xf32>,
      %broadcast_in_dim3A_99 = vector.broadcast %add3A_94 : i32 to vector<16xi32>
      %gather3A_100 = tpu.vector_load_idx %arg17[%broadcast_in_dim3A_99] : memref<64xf32, #tpu.memory_space<vmem>>[vector<16xi32>], vector<16xf32>,
      %mul3A_101 = arith.mulf %gather3A_98, %gather3A_100 : vector<16xf32>
      %sub3A_102 = arith.constant 1.024500e+03 : f32
      %sub3A_103 = vector.broadcast %sub3A_102 : f32 to vector<16xf32>
      %sub3A_104 = arith.subf %sub3A_103, %mul3A_101 : vector<16xf32>
      %parallel_loop3A_105 = arith.constant 0 : i32
      %parallel_loop3A_106 = arith.constant 256 : i32
      %parallel_loop3A_107 = arith.constant 1 : i32
      scf.for %parallel_loop3A_216 = %parallel_loop3A_105 to %parallel_loop3A_106 step %parallel_loop3A_107  : i32 {
        %parallel_loop3A_217 = arith.constant 16 : i32
        %parallel_loop3A_218 = arith.muli %parallel_loop3A_216, %parallel_loop3A_217 : i32
        %parallel_loop3A_219 = arith.constant 3 : i32
        %parallel_loop3A_220 = arith.index_cast %parallel_loop3A_219 : i32 to index
        %parallel_loop3A_221 = arith.index_cast %parallel_loop3A_218 : i32 to index
        %parallel_loop3A_222 = tpu.vector_load %arg8[%parallel_loop3A_220, %parallel_loop3A_221] {strides = array<i32>} : memref<4x4096xf32, #tpu.memory_space<vmem>>, vector<16xf32>,
        %parallel_loop3A_223 = arith.mulf %parallel_loop3A_222, %gather3A_100 : vector<16xf32>
        %parallel_loop3A_224 = arith.addf %parallel_loop3A_223, %sub3A_104 : vector<16xf32>
        %parallel_loop3A_225 = arith.fptosi %parallel_loop3A_224 : vector<16xf32> to vector<16xi32>
        %parallel_loop3A_226 = tpu.vector_load_idx %arg12[%parallel_loop3A_225] : memref<2048xf32, #tpu.memory_space<vmem>>[vector<16xi32>], vector<16xf32>,
        %parallel_loop3A_227 = arith.mulf %parallel_loop3A_226, %gather3A_96 : vector<16xf32>
        %parallel_loop3A_228 = arith.addf %parallel_loop3A_227, %gather3A_98 : vector<16xf32>
        %parallel_loop3A_229 = arith.constant 16 : i32
        %parallel_loop3A_230 = arith.muli %parallel_loop3A_216, %parallel_loop3A_229 : i32
        %parallel_loop3A_231 = arith.constant 3 : i32
        %parallel_loop3A_232 = arith.index_cast %parallel_loop3A_231 : i32 to index
        %parallel_loop3A_233 = arith.index_cast %parallel_loop3A_230 : i32 to index
        %parallel_loop3A_234 = tpu.vector_load %arg13[%parallel_loop3A_232, %parallel_loop3A_233] {strides = array<i32>} : memref<4x4096xf32, #tpu.memory_space<vmem>>, vector<16xf32>,
        tpu.vector_store %arg13[%parallel_loop3A_232, %parallel_loop3A_233], %parallel_loop3A_228 {strides = array<i32>} : memref<4x4096xf32, #tpu.memory_space<vmem>>, vector<16xf32>,
      } {sc.loop_unroll_factor = 8 : i64, sc.parallel_access}
      %mul3A_108 = arith.constant 4 : i32
      %mul3A_109 = arith.muli %add3A_35, %mul3A_108 : i32
      %add3A_110 = arith.addi %mul3A_2, %mul3A_109 : i32
      %dma_start3A_111 = arith.constant 0 : i32
      %dma_start3A_112 = tpu.memref_slice %arg7[%add3A_110, %dma_start3A_111] : memref<2048x4096xf32, #tpu.memory_space<hbm>> -> memref<4x4096xf32, #tpu.memory_space<hbm>>
      %dma_start3A_113 = arith.constant 0 : i32
      %dma_start3A_114 = tpu.memref_slice %arg7[%add3A_110, %dma_start3A_113] : memref<2048x4096xf32, #tpu.memory_space<hbm>> -> memref<4x4096xf32, #tpu.memory_space<hbm>>
      tpu.enqueue_dma source(%arg13 : memref<4x4096xf32, #tpu.memory_space<vmem>>) target(%dma_start3A_114 : memref<4x4096xf32, #tpu.memory_space<hbm>>) target_semaphore(%arg15 : memref<!tpu.dma_semaphore, #tpu.memory_space<semaphore_mem>>)
      %add3A_115 = arith.constant 2 : i32
      %add3A_116 = arith.addi %add3A_35, %add3A_115 : i32
      %lt3A = arith.constant 16 : i32
      %lt3A_117 = arith.cmpi slt, %add3A_116, %lt3A : i32
      %convert_element_type3A_118 = arith.extui %lt3A_117 : i1 to i32
      %cond3A_119 = arith.constant 0 : i32
      %cond3A_120 = arith.cmpi ne, %convert_element_type3A_118, %cond3A_119 : i32
      scf.if %cond3A_120 {
        %add3A_216 = arith.constant 2 : i32
        %add3A_217 = arith.addi %add3A_35, %add3A_216 : i32
        %mul3A_218 = arith.constant 4 : i32
        %mul3A_219 = arith.muli %add3A_217, %mul3A_218 : i32
        %add3A_220 = arith.addi %mul3A_2, %mul3A_219 : i32
        %dma_start3A_221 = arith.constant 0 : i32
        %dma_start3A_222 = tpu.memref_slice %arg2[%add3A_220, %dma_start3A_221] : memref<2048x4096xf32, #tpu.memory_space<hbm>> -> memref<4x4096xf32, #tpu.memory_space<hbm>>
        %dma_start3A_223 = arith.constant 0 : i32
        %dma_start3A_224 = tpu.memref_slice %arg2[%add3A_220, %dma_start3A_223] : memref<2048x4096xf32, #tpu.memory_space<hbm>> -> memref<4x4096xf32, #tpu.memory_space<hbm>>
        tpu.enqueue_dma source(%dma_start3A_224 : memref<4x4096xf32, #tpu.memory_space<hbm>>) target(%arg8 : memref<4x4096xf32, #tpu.memory_space<vmem>>) target_semaphore(%arg10 : memref<!tpu.dma_semaphore, #tpu.memory_space<semaphore_mem>>)
      } else {
      }
      %add3A_121 = arith.constant 1 : i32
      %add3A_122 = arith.addi %add3A_33, %add3A_121 : i32
      %dma_wait3A_123 = arith.constant 0 : i32
      %dma_wait3A_124 = arith.constant 0 : i32
      %dma_wait3A_125 = tpu.memref_slice %arg2[%dma_wait3A_123, %dma_wait3A_124] : memref<2048x4096xf32, #tpu.memory_space<hbm>> -> memref<4x4096xf32, #tpu.memory_space<hbm>>
      %dma_wait3A_126 = arith.constant 0 : i32
      %dma_wait3A_127 = arith.constant 0 : i32
      %dma_wait3A_128 = tpu.memref_slice %arg2[%dma_wait3A_126, %dma_wait3A_127] : memref<2048x4096xf32, #tpu.memory_space<hbm>> -> memref<4x4096xf32, #tpu.memory_space<hbm>>
      tpu.wait_dma2 semaphore(%arg11 : memref<!tpu.dma_semaphore, #tpu.memory_space<semaphore_mem>>) src(%dma_wait3A_128 : memref<4x4096xf32, #tpu.memory_space<hbm>>) dst(%arg9 : memref<4x4096xf32, #tpu.memory_space<vmem>>)
      %ge3A_129 = arith.constant 2 : i32
      %ge3A_130 = arith.cmpi sge, %add3A_33, %ge3A_129 : i32
      %convert_element_type3A_131 = arith.extui %ge3A_130 : i1 to i32
      %cond3A_132 = arith.constant 0 : i32
      %cond3A_133 = arith.cmpi ne, %convert_element_type3A_131, %cond3A_132 : i32
      scf.if %cond3A_133 {
        %dma_wait3A_216 = arith.constant 0 : i32
        %dma_wait3A_217 = arith.constant 0 : i32
        %dma_wait3A_218 = tpu.memref_slice %arg7[%dma_wait3A_216, %dma_wait3A_217] : memref<2048x4096xf32, #tpu.memory_space<hbm>> -> memref<4x4096xf32, #tpu.memory_space<hbm>>
        %dma_wait3A_219 = arith.constant 0 : i32
        %dma_wait3A_220 = arith.constant 0 : i32
        %dma_wait3A_221 = tpu.memref_slice %arg7[%dma_wait3A_219, %dma_wait3A_220] : memref<2048x4096xf32, #tpu.memory_space<hbm>> -> memref<4x4096xf32, #tpu.memory_space<hbm>>
        tpu.wait_dma2 semaphore(%arg16 : memref<!tpu.dma_semaphore, #tpu.memory_space<semaphore_mem>>) src(%arg14 : memref<4x4096xf32, #tpu.memory_space<vmem>>) dst(%dma_wait3A_221 : memref<4x4096xf32, #tpu.memory_space<hbm>>)
      } else {
      }
      %mul3A_134 = arith.constant 4 : i32
      %mul3A_135 = arith.muli %add3A_122, %mul3A_134 : i32
      %add3A_136 = arith.constant 0 : i32
      %add3A_137 = arith.addi %mul3A_135, %add3A_136 : i32
      %broadcast_in_dim3A_138 = vector.broadcast %add3A_137 : i32 to vector<16xi32>
      %gather3A_139 = tpu.vector_load_idx %arg18[%broadcast_in_dim3A_138] : memref<64xf32, #tpu.memory_space<vmem>>[vector<16xi32>], vector<16xf32>,
      %broadcast_in_dim3A_140 = vector.broadcast %add3A_137 : i32 to vector<16xi32>
      %gather3A_141 = tpu.vector_load_idx %arg19[%broadcast_in_dim3A_140] : memref<64xf32, #tpu.memory_space<vmem>>[vector<16xi32>], vector<16xf32>,
      %broadcast_in_dim3A_142 = vector.broadcast %add3A_137 : i32 to vector<16xi32>
      %gather3A_143 = tpu.vector_load_idx %arg17[%broadcast_in_dim3A_142] : memref<64xf32, #tpu.memory_space<vmem>>[vector<16xi32>], vector<16xf32>,
      %mul3A_144 = arith.mulf %gather3A_141, %gather3A_143 : vector<16xf32>
      %sub3A_145 = arith.constant 1.024500e+03 : f32
      %sub3A_146 = vector.broadcast %sub3A_145 : f32 to vector<16xf32>
      %sub3A_147 = arith.subf %sub3A_146, %mul3A_144 : vector<16xf32>
      %parallel_loop3A_148 = arith.constant 0 : i32
      %parallel_loop3A_149 = arith.constant 256 : i32
      %parallel_loop3A_150 = arith.constant 1 : i32
      scf.for %parallel_loop3A_216 = %parallel_loop3A_148 to %parallel_loop3A_149 step %parallel_loop3A_150  : i32 {
        %parallel_loop3A_217 = arith.constant 16 : i32
        %parallel_loop3A_218 = arith.muli %parallel_loop3A_216, %parallel_loop3A_217 : i32
        %parallel_loop3A_219 = arith.constant 0 : i32
        %parallel_loop3A_220 = arith.index_cast %parallel_loop3A_219 : i32 to index
        %parallel_loop3A_221 = arith.index_cast %parallel_loop3A_218 : i32 to index
        %parallel_loop3A_222 = tpu.vector_load %arg9[%parallel_loop3A_220, %parallel_loop3A_221] {strides = array<i32>} : memref<4x4096xf32, #tpu.memory_space<vmem>>, vector<16xf32>,
        %parallel_loop3A_223 = arith.mulf %parallel_loop3A_222, %gather3A_143 : vector<16xf32>
        %parallel_loop3A_224 = arith.addf %parallel_loop3A_223, %sub3A_147 : vector<16xf32>
        %parallel_loop3A_225 = arith.fptosi %parallel_loop3A_224 : vector<16xf32> to vector<16xi32>
        %parallel_loop3A_226 = tpu.vector_load_idx %arg12[%parallel_loop3A_225] : memref<2048xf32, #tpu.memory_space<vmem>>[vector<16xi32>], vector<16xf32>,
        %parallel_loop3A_227 = arith.mulf %parallel_loop3A_226, %gather3A_139 : vector<16xf32>
        %parallel_loop3A_228 = arith.addf %parallel_loop3A_227, %gather3A_141 : vector<16xf32>
        %parallel_loop3A_229 = arith.constant 16 : i32
        %parallel_loop3A_230 = arith.muli %parallel_loop3A_216, %parallel_loop3A_229 : i32
        %parallel_loop3A_231 = arith.constant 0 : i32
        %parallel_loop3A_232 = arith.index_cast %parallel_loop3A_231 : i32 to index
        %parallel_loop3A_233 = arith.index_cast %parallel_loop3A_230 : i32 to index
        %parallel_loop3A_234 = tpu.vector_load %arg14[%parallel_loop3A_232, %parallel_loop3A_233] {strides = array<i32>} : memref<4x4096xf32, #tpu.memory_space<vmem>>, vector<16xf32>,
        tpu.vector_store %arg14[%parallel_loop3A_232, %parallel_loop3A_233], %parallel_loop3A_228 {strides = array<i32>} : memref<4x4096xf32, #tpu.memory_space<vmem>>, vector<16xf32>,
      } {sc.loop_unroll_factor = 8 : i64, sc.parallel_access}
      %mul3A_151 = arith.constant 4 : i32
      %mul3A_152 = arith.muli %add3A_122, %mul3A_151 : i32
      %add3A_153 = arith.constant 1 : i32
      %add3A_154 = arith.addi %mul3A_152, %add3A_153 : i32
      %broadcast_in_dim3A_155 = vector.broadcast %add3A_154 : i32 to vector<16xi32>
      %gather3A_156 = tpu.vector_load_idx %arg18[%broadcast_in_dim3A_155] : memref<64xf32, #tpu.memory_space<vmem>>[vector<16xi32>], vector<16xf32>,
      %broadcast_in_dim3A_157 = vector.broadcast %add3A_154 : i32 to vector<16xi32>
      %gather3A_158 = tpu.vector_load_idx %arg19[%broadcast_in_dim3A_157] : memref<64xf32, #tpu.memory_space<vmem>>[vector<16xi32>], vector<16xf32>,
      %broadcast_in_dim3A_159 = vector.broadcast %add3A_154 : i32 to vector<16xi32>
      %gather3A_160 = tpu.vector_load_idx %arg17[%broadcast_in_dim3A_159] : memref<64xf32, #tpu.memory_space<vmem>>[vector<16xi32>], vector<16xf32>,
      %mul3A_161 = arith.mulf %gather3A_158, %gather3A_160 : vector<16xf32>
      %sub3A_162 = arith.constant 1.024500e+03 : f32
      %sub3A_163 = vector.broadcast %sub3A_162 : f32 to vector<16xf32>
      %sub3A_164 = arith.subf %sub3A_163, %mul3A_161 : vector<16xf32>
      %parallel_loop3A_165 = arith.constant 0 : i32
      %parallel_loop3A_166 = arith.constant 256 : i32
      %parallel_loop3A_167 = arith.constant 1 : i32
      scf.for %parallel_loop3A_216 = %parallel_loop3A_165 to %parallel_loop3A_166 step %parallel_loop3A_167  : i32 {
        %parallel_loop3A_217 = arith.constant 16 : i32
        %parallel_loop3A_218 = arith.muli %parallel_loop3A_216, %parallel_loop3A_217 : i32
        %parallel_loop3A_219 = arith.constant 1 : i32
        %parallel_loop3A_220 = arith.index_cast %parallel_loop3A_219 : i32 to index
        %parallel_loop3A_221 = arith.index_cast %parallel_loop3A_218 : i32 to index
        %parallel_loop3A_222 = tpu.vector_load %arg9[%parallel_loop3A_220, %parallel_loop3A_221] {strides = array<i32>} : memref<4x4096xf32, #tpu.memory_space<vmem>>, vector<16xf32>,
        %parallel_loop3A_223 = arith.mulf %parallel_loop3A_222, %gather3A_160 : vector<16xf32>
        %parallel_loop3A_224 = arith.addf %parallel_loop3A_223, %sub3A_164 : vector<16xf32>
        %parallel_loop3A_225 = arith.fptosi %parallel_loop3A_224 : vector<16xf32> to vector<16xi32>
        %parallel_loop3A_226 = tpu.vector_load_idx %arg12[%parallel_loop3A_225] : memref<2048xf32, #tpu.memory_space<vmem>>[vector<16xi32>], vector<16xf32>,
        %parallel_loop3A_227 = arith.mulf %parallel_loop3A_226, %gather3A_156 : vector<16xf32>
        %parallel_loop3A_228 = arith.addf %parallel_loop3A_227, %gather3A_158 : vector<16xf32>
        %parallel_loop3A_229 = arith.constant 16 : i32
        %parallel_loop3A_230 = arith.muli %parallel_loop3A_216, %parallel_loop3A_229 : i32
        %parallel_loop3A_231 = arith.constant 1 : i32
        %parallel_loop3A_232 = arith.index_cast %parallel_loop3A_231 : i32 to index
        %parallel_loop3A_233 = arith.index_cast %parallel_loop3A_230 : i32 to index
        %parallel_loop3A_234 = tpu.vector_load %arg14[%parallel_loop3A_232, %parallel_loop3A_233] {strides = array<i32>} : memref<4x4096xf32, #tpu.memory_space<vmem>>, vector<16xf32>,
        tpu.vector_store %arg14[%parallel_loop3A_232, %parallel_loop3A_233], %parallel_loop3A_228 {strides = array<i32>} : memref<4x4096xf32, #tpu.memory_space<vmem>>, vector<16xf32>,
      } {sc.loop_unroll_factor = 8 : i64, sc.parallel_access}
      %mul3A_168 = arith.constant 4 : i32
      %mul3A_169 = arith.muli %add3A_122, %mul3A_168 : i32
      %add3A_170 = arith.constant 2 : i32
      %add3A_171 = arith.addi %mul3A_169, %add3A_170 : i32
      %broadcast_in_dim3A_172 = vector.broadcast %add3A_171 : i32 to vector<16xi32>
      %gather3A_173 = tpu.vector_load_idx %arg18[%broadcast_in_dim3A_172] : memref<64xf32, #tpu.memory_space<vmem>>[vector<16xi32>], vector<16xf32>,
      %broadcast_in_dim3A_174 = vector.broadcast %add3A_171 : i32 to vector<16xi32>
      %gather3A_175 = tpu.vector_load_idx %arg19[%broadcast_in_dim3A_174] : memref<64xf32, #tpu.memory_space<vmem>>[vector<16xi32>], vector<16xf32>,
      %broadcast_in_dim3A_176 = vector.broadcast %add3A_171 : i32 to vector<16xi32>
      %gather3A_177 = tpu.vector_load_idx %arg17[%broadcast_in_dim3A_176] : memref<64xf32, #tpu.memory_space<vmem>>[vector<16xi32>], vector<16xf32>,
      %mul3A_178 = arith.mulf %gather3A_175, %gather3A_177 : vector<16xf32>
      %sub3A_179 = arith.constant 1.024500e+03 : f32
      %sub3A_180 = vector.broadcast %sub3A_179 : f32 to vector<16xf32>
      %sub3A_181 = arith.subf %sub3A_180, %mul3A_178 : vector<16xf32>
      %parallel_loop3A_182 = arith.constant 0 : i32
      %parallel_loop3A_183 = arith.constant 256 : i32
      %parallel_loop3A_184 = arith.constant 1 : i32
      scf.for %parallel_loop3A_216 = %parallel_loop3A_182 to %parallel_loop3A_183 step %parallel_loop3A_184  : i32 {
        %parallel_loop3A_217 = arith.constant 16 : i32
        %parallel_loop3A_218 = arith.muli %parallel_loop3A_216, %parallel_loop3A_217 : i32
        %parallel_loop3A_219 = arith.constant 2 : i32
        %parallel_loop3A_220 = arith.index_cast %parallel_loop3A_219 : i32 to index
        %parallel_loop3A_221 = arith.index_cast %parallel_loop3A_218 : i32 to index
        %parallel_loop3A_222 = tpu.vector_load %arg9[%parallel_loop3A_220, %parallel_loop3A_221] {strides = array<i32>} : memref<4x4096xf32, #tpu.memory_space<vmem>>, vector<16xf32>,
        %parallel_loop3A_223 = arith.mulf %parallel_loop3A_222, %gather3A_177 : vector<16xf32>
        %parallel_loop3A_224 = arith.addf %parallel_loop3A_223, %sub3A_181 : vector<16xf32>
        %parallel_loop3A_225 = arith.fptosi %parallel_loop3A_224 : vector<16xf32> to vector<16xi32>
        %parallel_loop3A_226 = tpu.vector_load_idx %arg12[%parallel_loop3A_225] : memref<2048xf32, #tpu.memory_space<vmem>>[vector<16xi32>], vector<16xf32>,
        %parallel_loop3A_227 = arith.mulf %parallel_loop3A_226, %gather3A_173 : vector<16xf32>
        %parallel_loop3A_228 = arith.addf %parallel_loop3A_227, %gather3A_175 : vector<16xf32>
        %parallel_loop3A_229 = arith.constant 16 : i32
        %parallel_loop3A_230 = arith.muli %parallel_loop3A_216, %parallel_loop3A_229 : i32
        %parallel_loop3A_231 = arith.constant 2 : i32
        %parallel_loop3A_232 = arith.index_cast %parallel_loop3A_231 : i32 to index
        %parallel_loop3A_233 = arith.index_cast %parallel_loop3A_230 : i32 to index
        %parallel_loop3A_234 = tpu.vector_load %arg14[%parallel_loop3A_232, %parallel_loop3A_233] {strides = array<i32>} : memref<4x4096xf32, #tpu.memory_space<vmem>>, vector<16xf32>,
        tpu.vector_store %arg14[%parallel_loop3A_232, %parallel_loop3A_233], %parallel_loop3A_228 {strides = array<i32>} : memref<4x4096xf32, #tpu.memory_space<vmem>>, vector<16xf32>,
      } {sc.loop_unroll_factor = 8 : i64, sc.parallel_access}
      %mul3A_185 = arith.constant 4 : i32
      %mul3A_186 = arith.muli %add3A_122, %mul3A_185 : i32
      %add3A_187 = arith.constant 3 : i32
      %add3A_188 = arith.addi %mul3A_186, %add3A_187 : i32
      %broadcast_in_dim3A_189 = vector.broadcast %add3A_188 : i32 to vector<16xi32>
      %gather3A_190 = tpu.vector_load_idx %arg18[%broadcast_in_dim3A_189] : memref<64xf32, #tpu.memory_space<vmem>>[vector<16xi32>], vector<16xf32>,
      %broadcast_in_dim3A_191 = vector.broadcast %add3A_188 : i32 to vector<16xi32>
      %gather3A_192 = tpu.vector_load_idx %arg19[%broadcast_in_dim3A_191] : memref<64xf32, #tpu.memory_space<vmem>>[vector<16xi32>], vector<16xf32>,
      %broadcast_in_dim3A_193 = vector.broadcast %add3A_188 : i32 to vector<16xi32>
      %gather3A_194 = tpu.vector_load_idx %arg17[%broadcast_in_dim3A_193] : memref<64xf32, #tpu.memory_space<vmem>>[vector<16xi32>], vector<16xf32>,
      %mul3A_195 = arith.mulf %gather3A_192, %gather3A_194 : vector<16xf32>
      %sub3A_196 = arith.constant 1.024500e+03 : f32
      %sub3A_197 = vector.broadcast %sub3A_196 : f32 to vector<16xf32>
      %sub3A_198 = arith.subf %sub3A_197, %mul3A_195 : vector<16xf32>
      %parallel_loop3A_199 = arith.constant 0 : i32
      %parallel_loop3A_200 = arith.constant 256 : i32
      %parallel_loop3A_201 = arith.constant 1 : i32
      scf.for %parallel_loop3A_216 = %parallel_loop3A_199 to %parallel_loop3A_200 step %parallel_loop3A_201  : i32 {
        %parallel_loop3A_217 = arith.constant 16 : i32
        %parallel_loop3A_218 = arith.muli %parallel_loop3A_216, %parallel_loop3A_217 : i32
        %parallel_loop3A_219 = arith.constant 3 : i32
        %parallel_loop3A_220 = arith.index_cast %parallel_loop3A_219 : i32 to index
        %parallel_loop3A_221 = arith.index_cast %parallel_loop3A_218 : i32 to index
        %parallel_loop3A_222 = tpu.vector_load %arg9[%parallel_loop3A_220, %parallel_loop3A_221] {strides = array<i32>} : memref<4x4096xf32, #tpu.memory_space<vmem>>, vector<16xf32>,
        %parallel_loop3A_223 = arith.mulf %parallel_loop3A_222, %gather3A_194 : vector<16xf32>
        %parallel_loop3A_224 = arith.addf %parallel_loop3A_223, %sub3A_198 : vector<16xf32>
        %parallel_loop3A_225 = arith.fptosi %parallel_loop3A_224 : vector<16xf32> to vector<16xi32>
        %parallel_loop3A_226 = tpu.vector_load_idx %arg12[%parallel_loop3A_225] : memref<2048xf32, #tpu.memory_space<vmem>>[vector<16xi32>], vector<16xf32>,
        %parallel_loop3A_227 = arith.mulf %parallel_loop3A_226, %gather3A_190 : vector<16xf32>
        %parallel_loop3A_228 = arith.addf %parallel_loop3A_227, %gather3A_192 : vector<16xf32>
        %parallel_loop3A_229 = arith.constant 16 : i32
        %parallel_loop3A_230 = arith.muli %parallel_loop3A_216, %parallel_loop3A_229 : i32
        %parallel_loop3A_231 = arith.constant 3 : i32
        %parallel_loop3A_232 = arith.index_cast %parallel_loop3A_231 : i32 to index
        %parallel_loop3A_233 = arith.index_cast %parallel_loop3A_230 : i32 to index
        %parallel_loop3A_234 = tpu.vector_load %arg14[%parallel_loop3A_232, %parallel_loop3A_233] {strides = array<i32>} : memref<4x4096xf32, #tpu.memory_space<vmem>>, vector<16xf32>,
        tpu.vector_store %arg14[%parallel_loop3A_232, %parallel_loop3A_233], %parallel_loop3A_228 {strides = array<i32>} : memref<4x4096xf32, #tpu.memory_space<vmem>>, vector<16xf32>,
      } {sc.loop_unroll_factor = 8 : i64, sc.parallel_access}
      %mul3A_202 = arith.constant 4 : i32
      %mul3A_203 = arith.muli %add3A_122, %mul3A_202 : i32
      %add3A_204 = arith.addi %mul3A_2, %mul3A_203 : i32
      %dma_start3A_205 = arith.constant 0 : i32
      %dma_start3A_206 = tpu.memref_slice %arg7[%add3A_204, %dma_start3A_205] : memref<2048x4096xf32, #tpu.memory_space<hbm>> -> memref<4x4096xf32, #tpu.memory_space<hbm>>
      %dma_start3A_207 = arith.constant 0 : i32
      %dma_start3A_208 = tpu.memref_slice %arg7[%add3A_204, %dma_start3A_207] : memref<2048x4096xf32, #tpu.memory_space<hbm>> -> memref<4x4096xf32, #tpu.memory_space<hbm>>
      tpu.enqueue_dma source(%arg14 : memref<4x4096xf32, #tpu.memory_space<vmem>>) target(%dma_start3A_208 : memref<4x4096xf32, #tpu.memory_space<hbm>>) target_semaphore(%arg16 : memref<!tpu.dma_semaphore, #tpu.memory_space<semaphore_mem>>)
      %add3A_209 = arith.constant 2 : i32
      %add3A_210 = arith.addi %add3A_122, %add3A_209 : i32
      %lt3A_211 = arith.constant 16 : i32
      %lt3A_212 = arith.cmpi slt, %add3A_210, %lt3A_211 : i32
      %convert_element_type3A_213 = arith.extui %lt3A_212 : i1 to i32
      %cond3A_214 = arith.constant 0 : i32
      %cond3A_215 = arith.cmpi ne, %convert_element_type3A_213, %cond3A_214 : i32
      scf.if %cond3A_215 {
        %add3A_216 = arith.constant 2 : i32
        %add3A_217 = arith.addi %add3A_122, %add3A_216 : i32
        %mul3A_218 = arith.constant 4 : i32
        %mul3A_219 = arith.muli %add3A_217, %mul3A_218 : i32
        %add3A_220 = arith.addi %mul3A_2, %mul3A_219 : i32
        %dma_start3A_221 = arith.constant 0 : i32
        %dma_start3A_222 = tpu.memref_slice %arg2[%add3A_220, %dma_start3A_221] : memref<2048x4096xf32, #tpu.memory_space<hbm>> -> memref<4x4096xf32, #tpu.memory_space<hbm>>
        %dma_start3A_223 = arith.constant 0 : i32
        %dma_start3A_224 = tpu.memref_slice %arg2[%add3A_220, %dma_start3A_223] : memref<2048x4096xf32, #tpu.memory_space<hbm>> -> memref<4x4096xf32, #tpu.memory_space<hbm>>
        tpu.enqueue_dma source(%dma_start3A_224 : memref<4x4096xf32, #tpu.memory_space<hbm>>) target(%arg9 : memref<4x4096xf32, #tpu.memory_space<vmem>>) target_semaphore(%arg11 : memref<!tpu.dma_semaphore, #tpu.memory_space<semaphore_mem>>)
      } else {
      }
    }
    %scan3A_17 = arith.constant 8 : i32
    %dma_wait3A = arith.constant 0 : i32
    %dma_wait3A_18 = arith.constant 0 : i32
    %dma_wait3A_19 = tpu.memref_slice %arg7[%dma_wait3A, %dma_wait3A_18] : memref<2048x4096xf32, #tpu.memory_space<hbm>> -> memref<4x4096xf32, #tpu.memory_space<hbm>>
    %dma_wait3A_20 = arith.constant 0 : i32
    %dma_wait3A_21 = arith.constant 0 : i32
    %dma_wait3A_22 = tpu.memref_slice %arg7[%dma_wait3A_20, %dma_wait3A_21] : memref<2048x4096xf32, #tpu.memory_space<hbm>> -> memref<4x4096xf32, #tpu.memory_space<hbm>>
    tpu.wait_dma2 semaphore(%arg15 : memref<!tpu.dma_semaphore, #tpu.memory_space<semaphore_mem>>) src(%arg13 : memref<4x4096xf32, #tpu.memory_space<vmem>>) dst(%dma_wait3A_22 : memref<4x4096xf32, #tpu.memory_space<hbm>>)
    %dma_wait3A_23 = arith.constant 0 : i32
    %dma_wait3A_24 = arith.constant 0 : i32
    %dma_wait3A_25 = tpu.memref_slice %arg7[%dma_wait3A_23, %dma_wait3A_24] : memref<2048x4096xf32, #tpu.memory_space<hbm>> -> memref<4x4096xf32, #tpu.memory_space<hbm>>
    %dma_wait3A_26 = arith.constant 0 : i32
    %dma_wait3A_27 = arith.constant 0 : i32
    %dma_wait3A_28 = tpu.memref_slice %arg7[%dma_wait3A_26, %dma_wait3A_27] : memref<2048x4096xf32, #tpu.memory_space<hbm>> -> memref<4x4096xf32, #tpu.memory_space<hbm>>
    tpu.wait_dma2 semaphore(%arg16 : memref<!tpu.dma_semaphore, #tpu.memory_space<semaphore_mem>>) src(%arg14 : memref<4x4096xf32, #tpu.memory_space<vmem>>) dst(%dma_wait3A_28 : memref<4x4096xf32, #tpu.memory_space<hbm>>)
    return
  }
}

</mosaic_0001>

<sc_bundles>
// kernel: wrapper.3.cloned.1.call-start
scs
__scs_entry_jumppad:
0x0: {  	(pc) =	sbr.rel $0x88, $3  }
0x1: {  	(tag) =	ssettag $0x0;
	lr =	simm.s32 $0x1  }
0x2: {  	[smem:$0x3F9C] =	sst lr;
	_ =	strace $0xD0000000  }
0x3: {  	_ = 	snop  }
0x4: {  	_ = 	snop  }
0x5: {  	_ = 	snop  }
0x6: {  	_ = 	snop  }
0x7: {  	_ = 	snop  }
__scs_overlays_trampoline_lowered:
0x8: {  	[smem:$0x3FAB] =	sst s0  }
0x9: {  	[smem:$0x3FAC] =	sst s1  }
0xa: {  	[smem:$0x3FAD] =	sst s2  }
0xb: {  	[smem:$0x3FAE] =	sst s3  }
0xc: {  	[smem:$0x3FAF] =	sst s4  }
0xd: {  	[smem:$0x3FB0] =	sst s5  }
0xe: {  	[smem:$0x3FB1] =	sst s6  }
0xf: {  	[smem:$0x3FB2] =	sst s7  }
0x10: {  	[smem:$0x3FB3] =	sst s8  }
0x11: {  	[smem:$0x3FB4] =	sst s9;
	s0 =	simm.s32 @!p0 $0x0  }
0x12: {  	s1 =	sld [smem:$0x3F9A];
	s0 =	simm.s32 @p0 $0x1  }
0x13: {  	[smem:$0x3FB5] =	sst s0;
	s0 =	simm.s32 @!p1 $0x0  }
0x14: {  	s2 =	sld [smem:$0x3F99];
	s0 =	simm.s32 @p1 $0x1  }
0x15: {  	[smem:$0x3FB6] =	sst s0;
	s0 =	simm.s32 @!p2 $0x0  }
0x16: {  	s3 =	sld [smem:$0x3FDB];
	s0 =	simm.s32 @p2 $0x1  }
0x17: {  	s4 =	simm.s32 $0x1BF5;
	[smem:$0x3FB8] =	sst s0  }
0x18: {  	s0 =	sld [smem:$0x3F9B];
	_ =	swait.ge [sflag:s4], $0x0  }
0x19: {  	s7 =	sld [smem:$0x3F9C]  }
0x1a: {  	s8 =	sadd.s32 $0xFFFFE003, lr  }
0x1b: {  	s9 =	sadd.s32 $0xFFFFFEF7, lr;
	s5 =	simm.s32 $0xFFFFFFFF;
	p2 =	slt.u32 s8, $0xFFFFF086  }
0x1c: {  	p1 =	slt.u32 s9, $0xF7A;
	s5 =	simm.s32 @!p2 $0x0  }
0x1d: {  	s5 =	simm.s32 @p1 $0x1;
	p0 =	seq.s32 s7, s2  }
0x1e: {  	s7 =	smul.u32 @!p0 $0xF7A, s2;
	p2 =	seq.s32 @!p0 s5, $0x0  }
0x1f: {  	s9 =	smul.u32 $0xF7A, s1;
	s8 =	simm.s32 @!p0 $0x1BF5;
	p2 =	por !p2, p0  }
0x20: {  	[sflag:s8] =	ssyncset.s32 @!p0 $0xFFFFF086;
	s6 =	sadd.s32 @!p0 s3, s7;
	s7 =	simm.s32 @!p0 $0x108  }
0x21: {  	s3 =	sadd.s32 s3, s9;
	s6 =	sadd.s32 @!p0 $0x88, s6;
	s7 =	simm.s32 @p2 $0x1082  }
0x22: {  	[simem:s7], [sflag:s8] =	dma.local @!p0 [hbm:s6], $0xF7A  }
0x23: {  	s9 =	sor.u32 $0xD0000000, s2;
	s6 =	simm.s32 $0x108;
	_ =	swait.ge @!p0 [sflag:s8], $0x0  }
0x24: {  	s3 =	sadd.s32 $0x88, s3;
	s6 =	simm.s32 @!p1 $0x1082;
	[sflag:s4] =	ssyncset.s32 $0xFFFFF086  }
0x25: {  	[simem:s6], [sflag:s4] =	dma.local [hbm:s3], $0xF7A  }
0x26: {  	[smem:$0x3F9C] =	sst s1;
	(tag) =	ssettag s2;
	_ =	strace s9  }
0x27: {  	s1 =	sld [smem:$0x3FAC]  }
0x28: {  	s2 =	sld [smem:$0x3FAD]  }
0x29: {  	s4 =	sld [smem:$0x3FAF]  }
0x2a: {  	p0 =	seq.s32 s5, $0x0;
	s5 =	sld [smem:$0x3FB0]  }
0x2b: {  	s6 =	sld [smem:$0x3FB1]  }
0x2c: {  	s7 =	sld [smem:$0x3FB2]  }
0x2d: {  	s3 =	simm.s32 $0x108;
	s8 =	sld [smem:$0x3FB3]  }
0x2e: {  	s3 =	simm.s32 @!p0 $0x1082;
	s9 =	sld [smem:$0x3FB4]  }
0x2f: {  	lr =	sadd.s32 s0, s3;
	s0 =	sld [smem:$0x3FAB]  }
0x30: {  	s3 =	sld [smem:$0x3FAE]  }
0x31: {  	[smem:$0x3FB7] =	sst s10  }
0x32: {  	s10 =	sld [smem:$0x3FB5];
	_ =	sdelay $0x3  }
0x33: {  	p0 =	seq.s32 s10, $0x1;
	s10 =	sld [smem:$0x3FB7];
	_ =	sdelay $0x3  }
0x34: {  	[smem:$0x3FB7] =	sst s10  }
0x35: {  	s10 =	sld [smem:$0x3FB6];
	_ =	sdelay $0x3  }
0x36: {  	p1 =	seq.s32 s10, $0x1;
	s10 =	sld [smem:$0x3FB7];
	_ =	sdelay $0x3  }
0x37: {  	[smem:$0x3FB7] =	sst s10  }
0x38: {  	s10 =	sld [smem:$0x3FB8]  }
0x39: {  	_ = 	snop;
	(pc) =	sbr.ind lr, $3  }
0x3a: {  	_ = 	snop  }
0x3b: {  	_ = 	snop  }
0x3c: {  	p2 =	seq.s32 s10, $0x1;
	s10 =	sld [smem:$0x3FB7]  }
0x3d: {  	_ =	shalt  }
0x3e: {  	_ =	shalt  }
0x3f: {  	_ =	shalt  }
0x40: {  	_ =	shalt  }
0x41: {  	_ =	shalt  }
0x42: {  	_ =	shalt  }
0x43: {  	_ =	shalt  }
0x44: {  	_ =	shalt  }
0x45: {  	_ =	shalt  }
0x46: {  	_ =	shalt  }
0x47: {  	_ =	shalt  }
0x48: {  	_ =	shalt  }
0x49: {  	_ =	shalt  }
0x4a: {  	_ =	shalt  }
0x4b: {  	_ =	shalt  }
0x4c: {  	_ =	shalt  }
0x4d: {  	_ =	shalt  }
0x4e: {  	_ =	shalt  }
0x4f: {  	_ =	shalt  }
0x50: {  	_ =	shalt  }
0x51: {  	_ =	shalt  }
0x52: {  	_ =	shalt  }
0x53: {  	_ =	shalt  }
0x54: {  	_ =	shalt  }
0x55: {  	_ =	shalt  }
0x56: {  	_ =	shalt  }
0x57: {  	_ =	shalt  }
0x58: {  	_ =	shalt  }
0x59: {  	_ =	shalt  }
0x5a: {  	_ =	shalt  }
0x5b: {  	_ =	shalt  }
0x5c: {  	_ =	shalt  }
0x5d: {  	_ =	shalt  }
0x5e: {  	_ =	shalt  }
0x5f: {  	_ =	shalt  }
0x60: {  	_ =	shalt  }
0x61: {  	_ =	shalt  }
0x62: {  	_ =	shalt  }
0x63: {  	_ =	shalt  }
0x64: {  	_ =	shalt  }
0x65: {  	_ =	shalt  }
0x66: {  	_ =	shalt  }
0x67: {  	_ =	shalt  }
0x68: {  	_ =	shalt  }
0x69: {  	_ =	shalt  }
0x6a: {  	_ =	shalt  }
0x6b: {  	_ =	shalt  }
0x6c: {  	_ =	shalt  }
0x6d: {  	_ =	shalt  }
0x6e: {  	_ =	shalt  }
0x6f: {  	_ =	shalt  }
0x70: {  	_ =	shalt  }
0x71: {  	_ =	shalt  }
0x72: {  	_ =	shalt  }
0x73: {  	_ =	shalt  }
0x74: {  	_ =	shalt  }
0x75: {  	_ =	shalt  }
0x76: {  	_ =	shalt  }
0x77: {  	_ =	shalt  }
0x78: {  	_ =	shalt  }
0x79: {  	_ =	shalt  }
0x7a: {  	_ =	shalt  }
0x7b: {  	_ =	shalt  }
0x7c: {  	_ =	shalt  }
0x7d: {  	_ =	shalt  }
0x7e: {  	_ =	shalt  }
0x7f: {  	_ =	shalt  }
0x80: {  	_ =	shalt  }
0x81: {  	_ =	shalt  }
0x82: {  	_ =	shalt  }
0x83: {  	_ =	shalt  }
0x84: {  	_ =	shalt  }
0x85: {  	_ =	shalt  }
0x86: {  	_ =	shalt  }
0x87: {  	_ =	shalt  }
.Lfunc_end0:
.L_simem_size_0:
called_computation_lowered:
.L_overlay_start_0:
0x88: {  	s2 =	sld [smem:$0x3FD9]  }
0x89: {  	s3 =	sld [smem:$0x3FFE];
	_ =	sdelay $0x1  }
0x8a: {  	s1 =	srdreg.scid  }
0x8b: {  	s0 =	sand.u32 $0x1, s1  }
0x8c: {  	s18 =	sshll.u32 s0, $0xA;
	s2 =	sadd.s32 s3, s2  }
0x8d: {  	s2 =	sadd.s32 s2, s18  }
0x8e: {  	[smem:$0x3FC3] =	sst s2  }
0x8f: {  	_ = 	snop  }
0x90: {  	s2 =	sld [smem:$0x3FC9]  }
0x91: {  	s19 =	sld [smem:$0x3FC8]  }
0x92: {  	s4 =	sld [smem:$0x3FC7]  }
0x93: {  	s5 =	sld [smem:$0x3FC6]  }
0x94: {  	s6 =	sld [smem:$0x3FC5]  }
0x95: {  	s7 =	sld [smem:$0x3FD0];
	(tm) =	ssettm $0x1  }
0x96: {  	s8 =	sld [smem:$0x3FFB];
	_ =	sdelay $0x3  }
0x97: {  	_ =	strace s8  }
0x98: {  	s8 =	sld [smem:$0x3FFC];
	_ =	sdelay $0x3  }
0x99: {  	_ =	strace s8  }
0x9a: {  	s8 =	sld [smem:$0x3FFD];
	_ =	sdelay $0x3  }
0x9b: {  	_ =	strace s8  }
0x9c: {  	_ =	strace $0x8FFFFFFF  }
0x9d: {  	s20 =	sld [smem:$0x3FDB];
	_ =	sdelay $0x1  }
0x9e: {  	s9 =	simm.s32 $_scs_section_size  }
0x9f: {  	s10 =	simm.s32 $_size__tile_overlayer_lowered;
	s11 =	simm.s32 $_tile_overlayer_lowered  }
0xa0: {  	s23 =	simm.s32 $0x1BFF;
	s22 =	sshll.u32 s11, $0x1;
	s8 =	sadd.s32 s9, s20  }
0xa1: {  	s12 =	simm.s32 $0x0;
	s21 =	sshll.u32 s10, $0x1;
	s10 =	sadd.s32 s22, s8  }
0xa2: {  	[timem:s12], [sflag:s23] =	dma.local [hbm:s10], s21  }
0xa3: {  	_ =	swait.ge [sflag:s23], s21  }
0xa4: {  	s9 =	ssub.s32 $0x0, s21;
	[sflag:s23] =	ssyncset.done $0x0  }
0xa5: {  	[sflag:s23] =	ssyncadd.s32 s9;
	_ =	sdelay $0x1  }
0xa6: {  	s24 =	simm.s32 $0x1B8B  }
0xa7: {  	_ =	swait.ge [sflag:s24], $0x1  }
0xa8: {  	[sflag:s24] =	ssyncset.done $0x0  }
0xa9: {  	s25 =	simm.s32 $0x1B8E;
	[sflag:s24] =	ssyncadd.s32 $0xFFFFFFFF  }
0xaa: {  	s26 =	simm.s32 $execute0_lowered;
	[smem:$0x3FD2] =	sst s25  }
0xab: {  	s9 =	sshll.u32 s26, $0x1;
	_ =	strace $0x80000046;
	[dreg:$0x1] =	wrdreg $0xFFFFFFFF  }
0xac: {  	s28 =	simm.s32 $_size_execute0_lowered;
	s8 =	sadd.s32 s8, s9;
	[dreg:$0x0] =	wrdreg $0x0  }
0xad: {  	s9 =	sshll.u32 s28, $0x1;
	[dreg:$0x2] =	wrdreg s8  }
0xae: {  	[dreg:$0x3] =	wrdreg s9  }
0xaf: {  	[dreg:$0x4] =	wrdreg $0xC0  }
0xb0: {  	_ =	task [dreg:s12], $0x5FFFF  }
0xb1: {  	[dreg:$0x1] =	wrdreg $0xFFFFFFFF  }
0xb2: {  	[dreg:$0x0] =	wrdreg $0x60  }
0xb3: {  	[dreg:$0x2] =	wrdreg s2  }
0xb4: {  	[dreg:$0x3] =	wrdreg s19  }
0xb5: {  	[dreg:$0x4] =	wrdreg s4  }
0xb6: {  	[dreg:$0x5] =	wrdreg s5  }
0xb7: {  	[dreg:$0x6] =	wrdreg s6  }
0xb8: {  	[dreg:$0x7] =	wrdreg s7  }
0xb9: {  	[dreg:$0x8] =	wrdreg $0x9  }
0xba: {  	_ =	task.clear_ibuf [dreg:s12], $0x9FFFF;
	_ =	strace $0x90000046  }
0xbb: {  	s29 =	simm.s32 $0x9;
	_ =	strace $0x80000048  }
0xbc: {  	_ =	swait.ge [sflag:s29], $0x1  }
0xbd: {  	[sflag:s29] =	ssyncadd.s32 $0xFFFFFFFF  }
0xbe: {  	_ =	strace $0x90000048  }
0xbf: {  	_ =	sfence  }
0xc0: {  	s30 =	sld [smem:$0x0];
	_ =	sdelay $0x2  }
0xc1: {  	s31 =	sshll.u32 s1, $0xD;
	s1 =	sshrl.u32 s1, $0x2  }
0xc2: {  	s3 =	sand.u32 $0x4000, s31;
	s1 =	sadd.s32 s1, s30  }
0xc3: {  	s0 =	sor.u32 s3, s0;
	s1 =	sshll.u32 s1, $0x11  }
0xc4: {  	s0 =	sor.u32 s1, s0  }
0xc5: {  	s0 =	sadd.s32 $0x8F2B, s0  }
0xc6: {  	[sflag:s0] =	ssyncadd.remote.s32 $0x1  }
0xc7: {  	_ =	sfence.sel $0xFFFF  }
0xc8: {  	[dreg:$0x0] =	wrdreg $0xFFFFFFFF;
	(pc) =	sbr.abs _section_cstart, $3  }
0xc9: {  	[dreg:$0x1] =	wrdreg $0xFFFFFFFF  }
0xca: {  	_ =	task.clear_ibuf [dreg:s12], $0x2FFFF;
	_ =	strace $0x9FFFFFFF  }
0xcb: {  	(tm) =	ssettm $0x7FFFFFFF  }
tec
execute0_lowered:
.L_overlay_start_1:
0x0: {  	(tag) =	ssettag $0x1  }
0x1: {  	s0 =	rddreg [dreg:$0x0]  }
0x2: {  	s1 =	rddreg [dreg:$0x1]  }
0x3: {  	s3 =	rddreg [dreg:$0x2]  }
0x4: {  	s6 =	rddreg [dreg:$0x3]  }
0x5: {  	s2 =	rddreg [dreg:$0x5];
	s4 =	simm.s32 $0x0  }
0x6: {  	s5 =	srdreg.scid;
	s8 =	stileid.u32;
	s15 =	simm.s32 $0x10880  }
0x7: {  	s16 =	simm.s32 $0x5;
	s17 =	simm.s32 $0x10800;
	s18 =	simm.s32 $0x10900  }
0x8: {  	s19 =	simm.s32 $0x8000;
	s20 =	simm.s32 $0x200;
	s21 =	simm.s32 $0x400  }
0x9: {  	s22 =	simm.s32 $0x4000;
	s23 =	simm.s32 $0x1;
	s28 =	simm.s32 $0xC800  }
0xa: {  	s29 =	simm.s32 $0x3;
	s30 =	simm.s32 $0x0;
	s5 =	sand.u32 $0x1, s5  }
0xb: {  	s8 =	sshll.u32 s8, $0x7;
	s7 =	ssub.s32 $0x2, s5;
	s5 =	sshll.u32 s5, $0x6  }
0xc: {  	[smem:$0x7FF] =	sst s4;
	s12 =	sadd.s32 $0x40, s2;
	s5 =	sor.u32 s5, s8  }
0xd: {  	_ =	strace $0x80000047;
	s9 =	sshrl.u32 s7, $0x1;
	s24 =	sshrl.u32 s5, $0x3  }
0xe: {  	s7 =	ssub.s32 s7, s9;
	s8 =	sshll.u32 s5, $0x9;
	s1 =	sadd.s32 s1, s24  }
.Ltmp0:
0xf: {  	s25 =	sadd.s32 s3, s24;
	[dreg:$0x7] =	wrdreg s1;
	(pc) =	sbr.rel .LBB2_1-.Ltmp0, $4  }
0x10: {  	s8 =	sadd.s32 s0, s8;
	s26 =	sadd.s32 s6, s24;
	[dreg:$0x8] =	wrdreg s25  }
0x11: {  	s14 =	smax.u32 s7, $0x1;
	s24 =	simm.s32 $0x8800;
	[dreg:$0x9] =	wrdreg s26  }
0x12: {  	s31 =	sadd.s32 $0x40, s8;
	s11 =	sadd.s32 $0x1000, s8;
	s13 =	sadd.s32 $0x1040, s8  }
0x13: {  	s25 =	simm.s32 $0x2;
	s26 =	simm.s32 $0x4;
	[dreg:$0xa] =	wrdreg s31  }
.LBB2_24:
0x14: {  	s30 =	sadd.s32 $0x1, s30  }
0x15: {  	_ =	swait.ge [sflag:s29], $0x4000;
	p0 =	sne.s32 s30, s14  }
.Ltmp1:
0x16: {  	[sflag:s29] =	ssyncset.done $0x0;
	(pc) =	sbr.rel @!p0 .LBB2_25-.Ltmp1, $4  }
0x17: {  	[sflag:s29] =	ssyncadd.s32 $0xFFFFC000  }
0x18: {  	_ =	swait.ge [sflag:s26], $0x4000  }
0x19: {  	[sflag:s26] =	ssyncset.done $0x0  }
0x1a: {  	[sflag:s26] =	ssyncadd.s32 $0xFFFFC000  }
.LBB2_1:
0x1b: {  	s0 =	rddreg [dreg:$0x7]  }
0x1c: {  	[tilespmem:s15], [sflag:$0x5] =	stream.linear.gather [hbm4b:s0+s4], $0x40, $0x38;
	[tilespmem:$0x10980] =	vst v63  }
0x1d: {  	_ =	swait.ge [sflag:s16], $0x40  }
0x1e: {  	[sflag:s16] =	ssyncset.done $0x0  }
0x1f: {  	s6 =	rddreg [dreg:$0x8];
	[sflag:s16] =	ssyncadd.s32 $0xFFFFFFC0  }
0x20: {  	[tilespmem:s17], [sflag:$0x5] =	stream.linear.gather [hbm4b:s6+s4], $0x40, $0x38;
	[tilespmem:$0x10980] =	vst v63  }
0x21: {  	_ =	swait.ge [sflag:s16], $0x40  }
0x22: {  	[sflag:s16] =	ssyncset.done $0x0  }
0x23: {  	s7 =	rddreg [dreg:$0x9];
	[sflag:s16] =	ssyncadd.s32 $0xFFFFFFC0  }
0x24: {  	[tilespmem:s18], [sflag:$0x5] =	stream.linear.gather [hbm4b:s7+s4], $0x40, $0x38;
	[tilespmem:$0x10980] =	vst v63  }
0x25: {  	_ =	swait.ge [sflag:s16], $0x40  }
0x26: {  	[sflag:s16] =	ssyncset.done $0x0  }
0x27: {  	[sflag:s16] =	ssyncadd.s32 $0xFFFFFFC0  }
0x28: {  	s9 =	rddreg [dreg:$0x4]  }
0x29: {  	[tilespmem:s19], [sflag:$0x5] =	stream.linear.gather [hbm4b:s9+s4], $0x800, $0x38;
	[tilespmem:$0x10980] =	vst v63  }
0x2a: {  	_ =	swait.ge [sflag:s16], $0x800  }
0x2b: {  	[sflag:s16] =	ssyncset.done $0x0  }
0x2c: {  	[sflag:s16] =	ssyncadd.s32 $0xFFFFF800  }
0x2d: {  	[tilespmem:s4], [sflag:$0x1] =	stream.strided.gather [hbm4b:s8+s20], $0x4000, s21, s20, $0x38;
	[tilespmem:$0x10980] =	vst v63  }
0x2e: {  	s31 =	simm.s32 $0x0;
	s10 =	rddreg [dreg:$0xa]  }
0x2f: {  	[tilespmem:s22], [sflag:$0x2] =	stream.strided.gather [hbm4b:s10+s20], $0x4000, s21, s20, $0x38;
	[tilespmem:$0x10980] =	vst v63  }
.LBB2_2:
0x30: {  	_ =	swait.ge [sflag:s23], $0x4000  }
0x31: {  	p0 =	seq.s32 s31, $0x0;
	[sflag:s23] =	ssyncset.done $0x0  }
0x32: {  	s0 =	simm.s32 @!p0 $0x3;
	[sflag:s23] =	ssyncadd.s32 $0xFFFFC000  }
0x33: {  	_ =	swait.ge @!p0 [sflag:s0], $0x4000  }
0x34: {  	[sflag:s0] =	ssyncset.done @!p0 $0x0  }
0x35: {  	s7 =	simm.s32 $0x40;
	[sflag:s0] =	ssyncadd.s32 @!p0 $0xFFFFC000  }
0x36: {  	s3 =	sshll.u32 s31, $0x3;
	v4 =	vld [tilespmem:s7+$0x30]  }
0x37: {  	v0 =	vmov s3;
	v5 =	vld [tilespmem:s7+$0xFFFFFFD0]  }
0x38: {  	v1 =	vbroadcast v0, $0x0;
	v6 =	vld [tilespmem:s7+$0xFFFFFFE0]  }
0x39: {  	v7 =	vld [tilespmem:s7+$0xFFFFFFF0]  }
0x3a: {  	v8 =	vld [tilespmem:s7+$0x0]  }
0x3b: {  	v9 =	vld [tilespmem:s7+$0x10]  }
0x3c: {  	v10 =	vld [tilespmem:s7+$0xFFFFFFC0]  }
0x3d: {  	v11 =	vld [tilespmem:s7+$0x20]  }
0x3e: {  	v0 =	vld.idx.msk [tilespmem:v1+s18+$0x0], $0xffff  }
0x3f: {  	s9 =	simm.s32 $0x240;
	v2 =	vld.idx.msk [tilespmem:v1+s17+$0x0], $0xffff  }
0x40: {  	v12 =	vld [tilespmem:s9+$0x30]  }
0x41: {  	v13 =	vld [tilespmem:s9+$0xFFFFFFD0]  }
0x42: {  	v14 =	vld [tilespmem:s9+$0xFFFFFFE0]  }
0x43: {  	v15 =	vld [tilespmem:s9+$0xFFFFFFF0]  }
0x44: {  	v16 =	vld [tilespmem:s9+$0x0];
	v3 =	vmul.f32 v2, v0;
	v4 =	vmul.f32 v4, v2  }
0x45: {  	v17 =	vld [tilespmem:s9+$0x10];
	v5 =	vmul.f32 v5, v2;
	v6 =	vmul.f32 v6, v2  }
0x46: {  	v18 =	vld [tilespmem:s9+$0x20];
	v7 =	vmul.f32 v7, v2;
	v8 =	vmul.f32 v8, v2  }
0x47: {  	s10 =	simm.s32 $0x440;
	v19 =	vld [tilespmem:s9+$0xFFFFFFC0];
	v9 =	vmul.f32 v9, v2;
	v10 =	vmul.f32 v10, v2  }
0x48: {  	v24 =	vld [tilespmem:s10+$0xFFFFFFF0];
	v11 =	vmul.f32 v11, v2;
	v12 =	vmul.f32 v12, v2  }
0x49: {  	v13 =	vmul.f32 v13, v2;
	v14 =	vmul.f32 v14, v2  }
0x4a: {  	v15 =	vmul.f32 v15, v2;
	v16 =	vmul.f32 v16, v2;
	v3 =	vsub.f32 $1.024500000e+03, v3  }
0x4b: {  	v17 =	vmul.f32 v17, v2;
	v18 =	vmul.f32 v18, v2  }
0x4c: {  	v19 =	vmul.f32 v19, v2;
	v4 =	vadd.f32 v4, v3;
	v5 =	vadd.f32 v5, v3  }
0x4d: {  	v24 =	vmul.f32 v24, v2;
	v6 =	vadd.f32 v6, v3;
	v7 =	vadd.f32 v7, v3  }
0x4e: {  	v8 =	vadd.f32 v8, v3;
	v10 =	vadd.f32 v10, v3;
	v4 =	vtrunc.f32 v4  }
0x4f: {  	v9 =	vadd.f32 v9, v3;
	v5 =	vtrunc.f32 v5;
	v6 =	vtrunc.f32 v6  }
0x50: {  	v11 =	vadd.f32 v11, v3;
	v10 =	vtrunc.f32 v10;
	v4 =	vcvt.f32.s32 v4  }
0x51: {  	v12 =	vadd.f32 v12, v3;
	v7 =	vtrunc.f32 v7;
	v10 =	vcvt.f32.s32 v10  }
0x52: {  	v13 =	vadd.f32 v13, v3;
	v8 =	vtrunc.f32 v8;
	v5 =	vcvt.f32.s32 v5  }
0x53: {  	v20 =	vld [tilespmem:s10+$0x30];
	v14 =	vadd.f32 v14, v3;
	v9 =	vtrunc.f32 v9;
	v6 =	vcvt.f32.s32 v6  }
0x54: {  	v21 =	vld [tilespmem:s10+$0xFFFFFFD0];
	v15 =	vadd.f32 v15, v3;
	v11 =	vtrunc.f32 v11;
	v8 =	vcvt.f32.s32 v8  }
0x55: {  	v1 =	vld.idx.msk [tilespmem:v1+s15+$0x0], $0xffff;
	v16 =	vadd.f32 v16, v3;
	v12 =	vtrunc.f32 v12;
	v9 =	vcvt.f32.s32 v9  }
0x56: {  	v17 =	vadd.f32 v17, v3;
	v13 =	vtrunc.f32 v13;
	v7 =	vcvt.f32.s32 v7;
	v4 =	vld.idx.msk [tilespmem:v4+s19+$0x0], $0xffff  }
0x57: {  	v18 =	vadd.f32 v18, v3;
	v14 =	vtrunc.f32 v14;
	v12 =	vcvt.f32.s32 v12;
	v10 =	vld.idx.msk [tilespmem:v10+s19+$0x0], $0xffff  }
0x58: {  	v19 =	vadd.f32 v19, v3;
	v15 =	vtrunc.f32 v15;
	v16 =	vtrunc.f32 v16;
	v5 =	vld.idx.msk [tilespmem:v5+s19+$0x0], $0xffff  }
0x59: {  	v17 =	vtrunc.f32 v17;
	v11 =	vcvt.f32.s32 v11;
	v6 =	vld.idx.msk [tilespmem:v6+s19+$0x0], $0xffff  }
0x5a: {  	v18 =	vtrunc.f32 v18;
	v19 =	vtrunc.f32 v19;
	v8 =	vld.idx.msk [tilespmem:v8+s19+$0x0], $0xffff  }
0x5b: {  	v13 =	vcvt.f32.s32 v13;
	v14 =	vcvt.f32.s32 v14;
	v9 =	vld.idx.msk [tilespmem:v9+s19+$0x0], $0xffff  }
0x5c: {  	v15 =	vcvt.f32.s32 v15;
	v19 =	vcvt.f32.s32 v19;
	v7 =	vld.idx.msk [tilespmem:v7+s19+$0x0], $0xffff  }
0x5d: {  	v16 =	vcvt.f32.s32 v16;
	v17 =	vcvt.f32.s32 v17;
	v12 =	vld.idx.msk [tilespmem:v12+s19+$0x0], $0xffff  }
0x5e: {  	v22 =	vld [tilespmem:s10+$0xFFFFFFE0];
	v18 =	vcvt.f32.s32 v18;
	v4 =	vmul.f32 v4, v1  }
0x5f: {  	v11 =	vld.idx.msk [tilespmem:v11+s19+$0x0], $0xffff;
	v10 =	vmul.f32 v10, v1;
	v5 =	vmul.f32 v5, v1  }
0x60: {  	v26 =	vmul.f32 v8, v1;
	v27 =	vmul.f32 v9, v1;
	v8 =	vld [tilespmem:s10+$0x10]  }
0x61: {  	v9 =	vmul.f32 v20, v2;
	v20 =	vld [tilespmem:s10+$0x20];
	v23 =	vadd.f32 v4, v0;
	v4 =	vmul.f32 v6, v1  }
0x62: {  	v6 =	vmul.f32 v7, v1;
	v7 =	vld [tilespmem:s10+$0x0];
	v25 =	vadd.f32 v10, v0;
	v10 =	vmul.f32 v12, v1  }
0x63: {  	v28 =	vld [tilespmem:s10+$0xFFFFFFC0];
	v12 =	vadd.f32 v5, v0;
	v5 =	vmul.f32 v21, v2;
	v9 =	vadd.f32 v9, v3  }
0x64: {  	v21 =	vadd.f32 v4, v0;
	v4 =	vmul.f32 v11, v1;
	v11 =	vmul.f32 v22, v2  }
0x65: {  	v22 =	vadd.f32 v10, v0;
	v29 =	vadd.f32 v5, v3;
	v9 =	vtrunc.f32 v9  }
0x66: {  	v30 =	vadd.f32 v6, v0;
	v5 =	vld.idx.msk [tilespmem:v19+s19+$0x0], $0xffff;
	v8 =	vmul.f32 v8, v2;
	v62 =	vcvt.f32.s32 v9  }
0x67: {  	s6 =	simm.s32 $0x8840;
	v19 =	vadd.f32 v24, v3;
	v9 =	vld.idx.msk [tilespmem:v14+s19+$0x0], $0xffff;
	v14 =	vmul.f32 v20, v2;
	v7 =	vmul.f32 v7, v2  }
0x68: {  	[tilespmem:s6+$0x30] =	vst v23;
	v6 =	vadd.f32 v11, v3;
	v23 =	vtrunc.f32 v29;
	v11 =	vld.idx.msk [tilespmem:v15+s19+$0x0], $0xffff;
	v15 =	vmul.f32 v28, v2  }
0x69: {  	v10 =	vld.idx.msk [tilespmem:v13+s19+$0x0], $0xffff;
	[tilespmem:s6+$0xFFFFFFC0] =	vst v25;
	v63 =	vtrunc.f32 v19;
	v20 =	vadd.f32 v8, v3;
	v7 =	vadd.f32 v7, v3  }
0x6a: {  	s1 =	simm.s32 $0x8A40;
	[tilespmem:s6+$0xFFFFFFD0] =	vst v12;
	v13 =	vld.idx.msk [tilespmem:v16+s19+$0x0], $0xffff;
	v8 =	vcvt.f32.s32 v23;
	v6 =	vtrunc.f32 v6;
	v15 =	vadd.f32 v15, v3  }
0x6b: {  	v12 =	vld.idx.msk [tilespmem:v18+s19+$0x0], $0xffff;
	[tilespmem:s1+$0x30] =	vst v22;
	v6 =	vcvt.f32.s32 v6;
	v16 =	vtrunc.f32 v7;
	v7 =	vadd.f32 v14, v3  }
0x6c: {  	[tilespmem:s6+$0xFFFFFFE0] =	vst v21;
	v19 =	vadd.f32 v26, v0;
	v21 =	vtrunc.f32 v15;
	v14 =	vld.idx.msk [tilespmem:v17+s19+$0x0], $0xffff;
	v17 =	vtrunc.f32 v20  }
0x6d: {  	s0 =	sshll.u32 s31, $0xC;
	s7 =	simm.s32 $0x10;
	s9 =	simm.s32 $0x640;
	[tilespmem:s6+$0xFFFFFFF0] =	vst v30;
	v15 =	vld.idx.msk [tilespmem:v62+s19+$0x0], $0xffff;
	v20 =	vadd.f32 v27, v0;
	v18 =	vtrunc.f32 v7;
	v7 =	vcvt.f32.s32 v63  }
.LBB2_3:
0x6e: {  	v22 =	vld [tilespmem:s9+$0x30];
	s7 =	sadd.s32 $0x8, s7;
	v21 =	vcvt.f32.s32 v21;
	v16 =	vcvt.f32.s32 v16;
	[tilespmem:s6+$0x0] =	vst v19;
	v4 =	vadd.f32 v4, v0  }
0x6f: {  	v17 =	vcvt.f32.s32 v17;
	v18 =	vcvt.f32.s32 v18;
	v19 =	vld [tilespmem:s9+$0xFFFFFFD0];
	p1 =	slt.u32 s7, $0xF8;
	[tilespmem:s6+$0x10] =	vst v20  }
0x70: {  	v5 =	vmul.f32 v5, v1;
	v10 =	vmul.f32 v10, v1;
	v20 =	vld [tilespmem:s9+$0xFFFFFFE0];
	[tilespmem:s6+$0x20] =	vst v4;
	s6 =	smov.u32 s1  }
0x71: {  	v4 =	vmul.f32 v9, v1;
	v9 =	vmul.f32 v11, v1;
	v23 =	vld [tilespmem:s9+$0xFFFFFFF0]  }
0x72: {  	v24 =	vmul.f32 v13, v1;
	v25 =	vmul.f32 v14, v1;
	v5 =	vadd.f32 v5, v0;
	v11 =	vld [tilespmem:s9+$0x0]  }
0x73: {  	v10 =	vadd.f32 v10, v0;
	v15 =	vmul.f32 v15, v1;
	v13 =	vld [tilespmem:s9+$0x10];
	v14 =	vmul.f32 v22, v2  }
0x74: {  	v26 =	vadd.f32 v4, v0;
	v4 =	vmul.f32 v12, v1;
	v19 =	vmul.f32 v19, v2;
	v22 =	vld [tilespmem:s9+$0x20];
	[tilespmem:s1+$0xFFFFFFC0] =	vst v5  }
0x75: {  	v15 =	vadd.f32 v15, v0;
	v12 =	vld [tilespmem:s9+$0xFFFFFFC0];
	v20 =	vmul.f32 v20, v2;
	v14 =	vadd.f32 v14, v3;
	[tilespmem:s1+$0xFFFFFFD0] =	vst v10  }
0x76: {  	s1 =	sadd.s32 $0x200, s1;
	v19 =	vadd.f32 v19, v3;
	v23 =	vmul.f32 v23, v2;
	v5 =	vld.idx.msk [tilespmem:v21+s19+$0x0], $0xffff;
	v21 =	vadd.f32 v9, v0  }
0x77: {  	v20 =	vadd.f32 v20, v3;
	v11 =	vmul.f32 v11, v2;
	v9 =	vtrunc.f32 v14;
	v10 =	vld.idx.msk [tilespmem:v8+s19+$0x0], $0xffff;
	[tilespmem:s1+$0x30] =	vst v15  }
0x78: {  	v8 =	vadd.f32 v23, v3;
	v13 =	vmul.f32 v13, v2;
	v15 =	vcvt.f32.s32 v9;
	v9 =	vld.idx.msk [tilespmem:v6+s19+$0x0], $0xffff;
	[tilespmem:s6+$0xFFFFFFE0] =	vst v26  }
0x79: {  	v6 =	vtrunc.f32 v19;
	v14 =	vadd.f32 v11, v3;
	v19 =	vmul.f32 v22, v2;
	v11 =	vld.idx.msk [tilespmem:v7+s19+$0x0], $0xffff;
	[tilespmem:s6+$0xFFFFFFF0] =	vst v21  }
.Ltmp2:
0x7a: {  	v20 =	vtrunc.f32 v20;
	v7 =	vmul.f32 v12, v2;
	v12 =	vadd.f32 v13, v3;
	v13 =	vld.idx.msk [tilespmem:v16+s19+$0x0], $0xffff;
	(pc) =	sbr.rel @p1 .LBB2_3-.Ltmp2, $4  }
0x7b: {  	v22 =	vtrunc.f32 v8;
	v16 =	vtrunc.f32 v14;
	v19 =	vadd.f32 v19, v3;
	v14 =	vld.idx.msk [tilespmem:v17+s19+$0x0], $0xffff  }
0x7c: {  	v8 =	vcvt.f32.s32 v6;
	v7 =	vadd.f32 v7, v3;
	v17 =	vtrunc.f32 v12;
	v12 =	vld.idx.msk [tilespmem:v18+s19+$0x0], $0xffff  }
0x7d: {  	v6 =	vcvt.f32.s32 v20;
	v18 =	vtrunc.f32 v19;
	v19 =	vadd.f32 v24, v0  }
0x7e: {  	s9 =	sadd.s32 $0x200, s9;
	v20 =	vadd.f32 v25, v0;
	v21 =	vtrunc.f32 v7;
	v7 =	vcvt.f32.s32 v22;
	v15 =	vld.idx.msk [tilespmem:v15+s19+$0x0], $0xffff  }
0x7f: {  	v2 =	vcvt.f32.s32 v21;
	_ =	sdelay $0x2  }
0x80: {  	v3 =	vmul.f32 v5, v1  }
0x81: {  	v5 =	vcvt.f32.s32 v16;
	[tilespmem:s6+$0x0] =	vst v19;
	v4 =	vadd.f32 v4, v0;
	v10 =	vmul.f32 v10, v1  }
0x82: {  	v16 =	vcvt.f32.s32 v17;
	[tilespmem:s6+$0x10] =	vst v20;
	v3 =	vadd.f32 v3, v0;
	v15 =	vmul.f32 v15, v1  }
0x83: {  	v17 =	vcvt.f32.s32 v18;
	[tilespmem:s6+$0x20] =	vst v4;
	v4 =	vmul.f32 v9, v1;
	v9 =	vadd.f32 v10, v0;
	v2 =	vld.idx.msk [tilespmem:v2+s19+$0x0], $0xffff  }
0x84: {  	v8 =	vld.idx.msk [tilespmem:v8+s19+$0x0], $0xffff;
	v10 =	vmul.f32 v11, v1;
	[tilespmem:s1+$0xFFFFFFC0] =	vst v3;
	v3 =	vadd.f32 v15, v0  }
0x85: {  	s10 =	sadd.s32 $0x200, s1;
	v6 =	vld.idx.msk [tilespmem:v6+s19+$0x0], $0xffff;
	v11 =	vmul.f32 v13, v1;
	v4 =	vadd.f32 v4, v0;
	[tilespmem:s1+$0xFFFFFFD0] =	vst v9  }
0x86: {  	v9 =	vmul.f32 v14, v1;
	v10 =	vadd.f32 v10, v0;
	[tilespmem:s10+$0x30] =	vst v3;
	v3 =	vld.idx.msk [tilespmem:v7+s19+$0x0], $0xffff  }
0x87: {  	[tilespmem:s1+$0xFFFFFFE0] =	vst v4;
	v4 =	vld.idx.msk [tilespmem:v5+s19+$0x0], $0xffff;
	v5 =	vadd.f32 v11, v0;
	v7 =	vmul.f32 v12, v1  }
0x88: {  	[tilespmem:s1+$0xFFFFFFF0] =	vst v10;
	v10 =	vld.idx.msk [tilespmem:v16+s19+$0x0], $0xffff;
	v9 =	vadd.f32 v9, v0;
	v2 =	vmul.f32 v2, v1  }
0x89: {  	v11 =	vld.idx.msk [tilespmem:v17+s19+$0x0], $0xffff;
	[tilespmem:s1+$0x0] =	vst v5;
	v5 =	vadd.f32 v7, v0;
	v7 =	vmul.f32 v8, v1  }
0x8a: {  	v6 =	vmul.f32 v6, v1;
	[tilespmem:s1+$0x10] =	vst v9;
	v2 =	vadd.f32 v2, v0  }
0x8b: {  	s7 =	sor.u32 $0x1, s3;
	[tilespmem:s1+$0x20] =	vst v5;
	v5 =	vadd.f32 v7, v0;
	v3 =	vmul.f32 v3, v1  }
0x8c: {  	v4 =	vmul.f32 v4, v1;
	v7 =	vmov s7;
	[tilespmem:s10+$0xFFFFFFC0] =	vst v2;
	v2 =	vadd.f32 v6, v0  }
0x8d: {  	[tilespmem:s10+$0xFFFFFFD0] =	vst v5;
	v6 =	vand.u32 $0xFFFFFFF9, v7;
	v7 =	vmul.f32 v10, v1;
	v3 =	vadd.f32 v3, v0  }
0x8e: {  	v1 =	vmul.f32 v11, v1;
	[tilespmem:s10+$0xFFFFFFE0] =	vst v2;
	v2 =	vadd.f32 v4, v0  }
0x8f: {  	[tilespmem:s10+$0xFFFFFFF0] =	vst v3;
	v3 =	vadd.f32 v7, v0  }
0x90: {  	v0 =	vadd.f32 v1, v0;
	[tilespmem:s10+$0x0] =	vst v2  }
0x91: {  	[tilespmem:s10+$0x10] =	vst v3  }
0x92: {  	s7 =	simm.s32 $0xF0;
	[tilespmem:s10+$0x20] =	vst v0  }
0x93: {  	v5 =	vbroadcast v6, $0x0;
	v1 =	vld [tilespmem:s7+$0x0]  }
0x94: {  	v6 =	vld [tilespmem:s7+$0xFFFFFFB0]  }
0x95: {  	v7 =	vld [tilespmem:s7+$0xFFFFFFC0]  }
0x96: {  	v8 =	vld [tilespmem:s7+$0xFFFFFFD0]  }
0x97: {  	v9 =	vld [tilespmem:s7+$0xFFFFFFE0]  }
0x98: {  	v10 =	vld [tilespmem:s7+$0xFFFFFF90]  }
0x99: {  	v0 =	vld.idx.msk [tilespmem:v5+s18+$0x0], $0xffff  }
0x9a: {  	s9 =	simm.s32 $0x2F0;
	v2 =	vld.idx.msk [tilespmem:v5+s17+$0x0], $0xffff  }
0x9b: {  	v13 =	vld [tilespmem:s9+$0xFFFFFFA0]  }
0x9c: {  	v14 =	vld [tilespmem:s9+$0xFFFFFFB0]  }
0x9d: {  	v15 =	vld [tilespmem:s9+$0xFFFFFFC0]  }
0x9e: {  	v16 =	vld [tilespmem:s9+$0xFFFFFFD0]  }
0x9f: {  	v17 =	vld [tilespmem:s9+$0xFFFFFFE0];
	v3 =	vmul.f32 v2, v0;
	v1 =	vmul.f32 v1, v2  }
0xa0: {  	v18 =	vld [tilespmem:s9+$0xFFFFFFF0];
	v6 =	vmul.f32 v6, v2;
	v7 =	vmul.f32 v7, v2  }
0xa1: {  	v4 =	vld [tilespmem:s7+$0xFFFFFFA0];
	v8 =	vmul.f32 v8, v2;
	v9 =	vmul.f32 v9, v2;
	v3 =	vsub.f32 $1.024500000e+03, v3  }
0xa2: {  	s10 =	simm.s32 $0x4F0;
	v19 =	vld [tilespmem:s9+$0xFFFFFF90];
	v10 =	vmul.f32 v10, v2;
	v13 =	vmul.f32 v13, v2  }
0xa3: {  	v22 =	vld [tilespmem:s10+$0xFFFFFFB0];
	v14 =	vmul.f32 v14, v2;
	v15 =	vmul.f32 v15, v2;
	v1 =	vadd.f32 v1, v3  }
0xa4: {  	v23 =	vld [tilespmem:s10+$0xFFFFFFC0];
	v16 =	vmul.f32 v16, v2;
	v17 =	vmul.f32 v17, v2  }
0xa5: {  	v18 =	vmul.f32 v18, v2;
	v1 =	vtrunc.f32 v1  }
0xa6: {  	v11 =	vcvt.f32.s32 v1;
	v1 =	vmul.f32 v4, v2  }
0xa7: {  	v19 =	vmul.f32 v19, v2;
	v6 =	vadd.f32 v6, v3;
	v8 =	vadd.f32 v8, v3  }
0xa8: {  	v22 =	vmul.f32 v22, v2;
	v9 =	vadd.f32 v9, v3;
	v12 =	vadd.f32 v1, v3  }
0xa9: {  	v23 =	vmul.f32 v23, v2;
	v10 =	vadd.f32 v10, v3;
	v13 =	vadd.f32 v13, v3;
	v1 =	vld.idx.msk [tilespmem:v5+s15+$0x0], $0xffff  }
0xaa: {  	v6 =	vtrunc.f32 v6;
	v5 =	vadd.f32 v7, v3;
	v7 =	vtrunc.f32 v12;
	v12 =	vld [tilespmem:s9+$0x0]  }
0xab: {  	v14 =	vadd.f32 v14, v3;
	v8 =	vtrunc.f32 v8;
	v9 =	vtrunc.f32 v9  }
0xac: {  	v15 =	vadd.f32 v15, v3;
	v10 =	vtrunc.f32 v10;
	v13 =	vtrunc.f32 v13  }
0xad: {  	v14 =	vtrunc.f32 v14;
	v8 =	vcvt.f32.s32 v8  }
0xae: {  	v16 =	vadd.f32 v16, v3;
	v15 =	vtrunc.f32 v15;
	v4 =	vld [tilespmem:s7+$0xFFFFFFF0];
	v9 =	vcvt.f32.s32 v9  }
0xaf: {  	v10 =	vcvt.f32.s32 v10;
	v12 =	vmul.f32 v12, v2  }
0xb0: {  	v20 =	vld [tilespmem:s10+$0x0];
	v17 =	vadd.f32 v17, v3;
	v16 =	vtrunc.f32 v16;
	v6 =	vcvt.f32.s32 v6  }
0xb1: {  	v21 =	vld [tilespmem:s10+$0xFFFFFFA0];
	v5 =	vtrunc.f32 v5;
	v7 =	vcvt.f32.s32 v7;
	v12 =	vadd.f32 v12, v3  }
0xb2: {  	v18 =	vadd.f32 v18, v3;
	v17 =	vtrunc.f32 v17;
	v5 =	vcvt.f32.s32 v5;
	v11 =	vld.idx.msk [tilespmem:v11+s19+$0x0], $0xffff  }
0xb3: {  	v19 =	vadd.f32 v19, v3;
	v4 =	vmul.f32 v4, v2;
	v8 =	vld.idx.msk [tilespmem:v8+s19+$0x0], $0xffff;
	v12 =	vtrunc.f32 v12  }
0xb4: {  	v18 =	vtrunc.f32 v18;
	v9 =	vld.idx.msk [tilespmem:v9+s19+$0x0], $0xffff;
	v12 =	vcvt.f32.s32 v12  }
0xb5: {  	v19 =	vtrunc.f32 v19;
	v13 =	vcvt.f32.s32 v13;
	v10 =	vld.idx.msk [tilespmem:v10+s19+$0x0], $0xffff;
	v4 =	vadd.f32 v4, v3  }
0xb6: {  	v14 =	vcvt.f32.s32 v14;
	v15 =	vcvt.f32.s32 v15;
	v6 =	vld.idx.msk [tilespmem:v6+s19+$0x0], $0xffff  }
0xb7: {  	v19 =	vcvt.f32.s32 v19;
	v4 =	vtrunc.f32 v4;
	v7 =	vld.idx.msk [tilespmem:v7+s19+$0x0], $0xffff  }
0xb8: {  	v4 =	vcvt.f32.s32 v4;
	v5 =	vld.idx.msk [tilespmem:v5+s19+$0x0], $0xffff;
	v26 =	vmul.f32 v8, v1  }
0xb9: {  	v27 =	vmul.f32 v9, v1;
	v8 =	vld [tilespmem:s10+$0xFFFFFFE0];
	v9 =	vmul.f32 v20, v2  }
0xba: {  	v16 =	vcvt.f32.s32 v16;
	v17 =	vcvt.f32.s32 v17;
	v12 =	vld.idx.msk [tilespmem:v12+s19+$0x0], $0xffff  }
0xbb: {  	v24 =	vld [tilespmem:s10+$0xFFFFFFD0];
	v18 =	vcvt.f32.s32 v18;
	v11 =	vmul.f32 v11, v1;
	v9 =	vadd.f32 v9, v3  }
0xbc: {  	v23 =	vadd.f32 v23, v3;
	v10 =	vmul.f32 v10, v1;
	v6 =	vmul.f32 v6, v1;
	v20 =	vld [tilespmem:s10+$0xFFFFFFF0]  }
0xbd: {  	v11 =	vadd.f32 v11, v0;
	v9 =	vtrunc.f32 v9;
	v7 =	vmul.f32 v7, v1  }
0xbe: {  	v25 =	vadd.f32 v10, v0;
	v4 =	vld.idx.msk [tilespmem:v4+s19+$0x0], $0xffff;
	v5 =	vmul.f32 v5, v1;
	v8 =	vmul.f32 v8, v2  }
0xbf: {  	v7 =	vadd.f32 v7, v0;
	v10 =	vmul.f32 v12, v1;
	v12 =	vmul.f32 v21, v2;
	v21 =	vld [tilespmem:s10+$0xFFFFFF90]  }
0xc0: {  	s6 =	simm.s32 $0x88F0;
	v63 =	vcvt.f32.s32 v9;
	v29 =	vadd.f32 v5, v0;
	v5 =	vld.idx.msk [tilespmem:v19+s19+$0x0], $0xffff;
	v19 =	vadd.f32 v22, v3  }
0xc1: {  	v6 =	vadd.f32 v6, v0;
	[tilespmem:s6+$0x0] =	vst v11;
	v20 =	vmul.f32 v20, v2;
	v22 =	vmul.f32 v24, v2  }
0xc2: {  	v11 =	vld.idx.msk [tilespmem:v15+s19+$0x0], $0xffff;
	v19 =	vtrunc.f32 v19;
	[tilespmem:s6+$0xFFFFFFA0] =	vst v7;
	v7 =	vtrunc.f32 v23  }
0xc3: {  	[tilespmem:s6+$0xFFFFFFB0] =	vst v6;
	v9 =	vld.idx.msk [tilespmem:v14+s19+$0x0], $0xffff;
	v14 =	vadd.f32 v22, v3;
	v4 =	vmul.f32 v4, v1;
	v6 =	vcvt.f32.s32 v19  }
0xc4: {  	v28 =	vadd.f32 v10, v0;
	v12 =	vadd.f32 v12, v3;
	v10 =	vld.idx.msk [tilespmem:v13+s19+$0x0], $0xffff;
	v15 =	vmul.f32 v21, v2  }
0xc5: {  	v20 =	vadd.f32 v20, v3;
	v7 =	vcvt.f32.s32 v7;
	v13 =	vld.idx.msk [tilespmem:v16+s19+$0x0], $0xffff;
	v16 =	vtrunc.f32 v14  }
0xc6: {  	[tilespmem:s6+$0xFFFFFF90] =	vst v25;
	v14 =	vld.idx.msk [tilespmem:v17+s19+$0x0], $0xffff;
	v12 =	vtrunc.f32 v12;
	v21 =	vadd.f32 v8, v3;
	v15 =	vadd.f32 v15, v3  }
0xc7: {  	s1 =	simm.s32 $0x8AF0;
	[tilespmem:s6+$0xFFFFFFC0] =	vst v29;
	v19 =	vadd.f32 v26, v0;
	v8 =	vcvt.f32.s32 v12;
	v12 =	vld.idx.msk [tilespmem:v18+s19+$0x0], $0xffff;
	v18 =	vtrunc.f32 v20  }
0xc8: {  	s7 =	simm.s32 $0x10;
	s9 =	simm.s32 $0x6F0;
	[tilespmem:s1+$0x0] =	vst v28;
	v20 =	vadd.f32 v27, v0;
	v17 =	vtrunc.f32 v21;
	v21 =	vtrunc.f32 v15;
	v15 =	vld.idx.msk [tilespmem:v63+s19+$0x0], $0xffff  }
.LBB2_5:
0xc9: {  	v22 =	vld [tilespmem:s9+$0x0];
	s7 =	sadd.s32 $0x8, s7;
	v21 =	vcvt.f32.s32 v21;
	v16 =	vcvt.f32.s32 v16;
	[tilespmem:s6+$0xFFFFFFD0] =	vst v19;
	v4 =	vadd.f32 v4, v0  }
0xca: {  	v17 =	vcvt.f32.s32 v17;
	v18 =	vcvt.f32.s32 v18;
	v19 =	vld [tilespmem:s9+$0xFFFFFFA0];
	p1 =	slt.u32 s7, $0xF8;
	[tilespmem:s6+$0xFFFFFFE0] =	vst v20  }
0xcb: {  	v5 =	vmul.f32 v5, v1;
	v10 =	vmul.f32 v10, v1;
	v20 =	vld [tilespmem:s9+$0xFFFFFFB0];
	[tilespmem:s6+$0xFFFFFFF0] =	vst v4;
	s6 =	smov.u32 s1  }
0xcc: {  	v4 =	vmul.f32 v9, v1;
	v9 =	vmul.f32 v11, v1;
	v23 =	vld [tilespmem:s9+$0xFFFFFFC0]  }
0xcd: {  	v24 =	vmul.f32 v13, v1;
	v25 =	vmul.f32 v14, v1;
	v5 =	vadd.f32 v5, v0;
	v11 =	vld [tilespmem:s9+$0xFFFFFFD0]  }
0xce: {  	v10 =	vadd.f32 v10, v0;
	v15 =	vmul.f32 v15, v1;
	v13 =	vld [tilespmem:s9+$0xFFFFFFE0];
	v14 =	vmul.f32 v22, v2  }
0xcf: {  	v26 =	vadd.f32 v4, v0;
	v4 =	vmul.f32 v12, v1;
	v19 =	vmul.f32 v19, v2;
	v22 =	vld [tilespmem:s9+$0xFFFFFFF0];
	[tilespmem:s1+$0xFFFFFF90] =	vst v5  }
0xd0: {  	v15 =	vadd.f32 v15, v0;
	v12 =	vld [tilespmem:s9+$0xFFFFFF90];
	v20 =	vmul.f32 v20, v2;
	v14 =	vadd.f32 v14, v3;
	[tilespmem:s1+$0xFFFFFFA0] =	vst v10  }
0xd1: {  	s1 =	sadd.s32 $0x200, s1;
	v19 =	vadd.f32 v19, v3;
	v23 =	vmul.f32 v23, v2;
	v5 =	vld.idx.msk [tilespmem:v21+s19+$0x0], $0xffff;
	v21 =	vadd.f32 v9, v0  }
0xd2: {  	v20 =	vadd.f32 v20, v3;
	v11 =	vmul.f32 v11, v2;
	v9 =	vtrunc.f32 v14;
	v10 =	vld.idx.msk [tilespmem:v8+s19+$0x0], $0xffff;
	[tilespmem:s1+$0x0] =	vst v15  }
0xd3: {  	v8 =	vadd.f32 v23, v3;
	v13 =	vmul.f32 v13, v2;
	v15 =	vcvt.f32.s32 v9;
	v9 =	vld.idx.msk [tilespmem:v6+s19+$0x0], $0xffff;
	[tilespmem:s6+$0xFFFFFFB0] =	vst v26  }
0xd4: {  	v6 =	vtrunc.f32 v19;
	v14 =	vadd.f32 v11, v3;
	v19 =	vmul.f32 v22, v2;
	v11 =	vld.idx.msk [tilespmem:v7+s19+$0x0], $0xffff;
	[tilespmem:s6+$0xFFFFFFC0] =	vst v21  }
.Ltmp3:
0xd5: {  	v20 =	vtrunc.f32 v20;
	v7 =	vmul.f32 v12, v2;
	v12 =	vadd.f32 v13, v3;
	v13 =	vld.idx.msk [tilespmem:v16+s19+$0x0], $0xffff;
	(pc) =	sbr.rel @p1 .LBB2_5-.Ltmp3, $4  }
0xd6: {  	v22 =	vtrunc.f32 v8;
	v16 =	vtrunc.f32 v14;
	v19 =	vadd.f32 v19, v3;
	v14 =	vld.idx.msk [tilespmem:v17+s19+$0x0], $0xffff  }
0xd7: {  	v8 =	vcvt.f32.s32 v6;
	v7 =	vadd.f32 v7, v3;
	v17 =	vtrunc.f32 v12;
	v12 =	vld.idx.msk [tilespmem:v18+s19+$0x0], $0xffff  }
0xd8: {  	v6 =	vcvt.f32.s32 v20;
	v18 =	vtrunc.f32 v19;
	v19 =	vadd.f32 v24, v0  }
0xd9: {  	s9 =	sadd.s32 $0x200, s9;
	v20 =	vadd.f32 v25, v0;
	v21 =	vtrunc.f32 v7;
	v7 =	vcvt.f32.s32 v22;
	v15 =	vld.idx.msk [tilespmem:v15+s19+$0x0], $0xffff  }
0xda: {  	v2 =	vcvt.f32.s32 v21;
	_ =	sdelay $0x2  }
0xdb: {  	v3 =	vmul.f32 v5, v1  }
0xdc: {  	v5 =	vcvt.f32.s32 v16;
	[tilespmem:s6+$0xFFFFFFD0] =	vst v19;
	v4 =	vadd.f32 v4, v0;
	v10 =	vmul.f32 v10, v1  }
0xdd: {  	v16 =	vcvt.f32.s32 v17;
	[tilespmem:s6+$0xFFFFFFE0] =	vst v20;
	v3 =	vadd.f32 v3, v0;
	v15 =	vmul.f32 v15, v1  }
0xde: {  	v17 =	vcvt.f32.s32 v18;
	[tilespmem:s6+$0xFFFFFFF0] =	vst v4;
	v4 =	vmul.f32 v9, v1;
	v9 =	vadd.f32 v10, v0;
	v2 =	vld.idx.msk [tilespmem:v2+s19+$0x0], $0xffff  }
0xdf: {  	v8 =	vld.idx.msk [tilespmem:v8+s19+$0x0], $0xffff;
	v10 =	vmul.f32 v11, v1;
	[tilespmem:s1+$0xFFFFFF90] =	vst v3;
	v3 =	vadd.f32 v15, v0  }
0xe0: {  	s10 =	sadd.s32 $0x200, s1;
	v6 =	vld.idx.msk [tilespmem:v6+s19+$0x0], $0xffff;
	v11 =	vmul.f32 v13, v1;
	v4 =	vadd.f32 v4, v0;
	[tilespmem:s1+$0xFFFFFFA0] =	vst v9  }
0xe1: {  	v9 =	vmul.f32 v14, v1;
	v10 =	vadd.f32 v10, v0;
	[tilespmem:s10+$0x0] =	vst v3;
	v3 =	vld.idx.msk [tilespmem:v7+s19+$0x0], $0xffff  }
0xe2: {  	[tilespmem:s1+$0xFFFFFFB0] =	vst v4;
	v4 =	vld.idx.msk [tilespmem:v5+s19+$0x0], $0xffff;
	v5 =	vadd.f32 v11, v0;
	v7 =	vmul.f32 v12, v1  }
0xe3: {  	[tilespmem:s1+$0xFFFFFFC0] =	vst v10;
	v10 =	vld.idx.msk [tilespmem:v16+s19+$0x0], $0xffff;
	v9 =	vadd.f32 v9, v0;
	v2 =	vmul.f32 v2, v1  }
0xe4: {  	v11 =	vld.idx.msk [tilespmem:v17+s19+$0x0], $0xffff;
	[tilespmem:s1+$0xFFFFFFD0] =	vst v5;
	v5 =	vadd.f32 v7, v0;
	v7 =	vmul.f32 v8, v1  }
0xe5: {  	v6 =	vmul.f32 v6, v1;
	[tilespmem:s1+$0xFFFFFFE0] =	vst v9;
	v2 =	vadd.f32 v2, v0  }
0xe6: {  	s7 =	sor.u32 $0x2, s3;
	[tilespmem:s1+$0xFFFFFFF0] =	vst v5;
	v5 =	vadd.f32 v7, v0;
	v3 =	vmul.f32 v3, v1  }
0xe7: {  	v4 =	vmul.f32 v4, v1;
	v7 =	vmov s7;
	[tilespmem:s10+$0xFFFFFF90] =	vst v2;
	v2 =	vadd.f32 v6, v0  }
0xe8: {  	[tilespmem:s10+$0xFFFFFFA0] =	vst v5;
	v6 =	vand.u32 $0xFFFFFFFA, v7;
	v7 =	vmul.f32 v10, v1;
	v3 =	vadd.f32 v3, v0  }
0xe9: {  	v1 =	vmul.f32 v11, v1;
	[tilespmem:s10+$0xFFFFFFB0] =	vst v2;
	v2 =	vadd.f32 v4, v0  }
0xea: {  	[tilespmem:s10+$0xFFFFFFC0] =	vst v3;
	v3 =	vadd.f32 v7, v0  }
0xeb: {  	v0 =	vadd.f32 v1, v0;
	[tilespmem:s10+$0xFFFFFFD0] =	vst v2  }
0xec: {  	[tilespmem:s10+$0xFFFFFFE0] =	vst v3  }
0xed: {  	s7 =	simm.s32 $0x170;
	[tilespmem:s10+$0xFFFFFFF0] =	vst v0  }
0xee: {  	v5 =	vbroadcast v6, $0x0;
	v1 =	vld [tilespmem:s7+$0x0]  }
0xef: {  	v6 =	vld [tilespmem:s7+$0xFFFFFFB0]  }
0xf0: {  	v7 =	vld [tilespmem:s7+$0xFFFFFFC0]  }
0xf1: {  	v8 =	vld [tilespmem:s7+$0xFFFFFFD0]  }
0xf2: {  	v9 =	vld [tilespmem:s7+$0xFFFFFFE0]  }
0xf3: {  	v10 =	vld [tilespmem:s7+$0xFFFFFF90]  }
0xf4: {  	v0 =	vld.idx.msk [tilespmem:v5+s18+$0x0], $0xffff  }
0xf5: {  	s9 =	simm.s32 $0x370;
	v2 =	vld.idx.msk [tilespmem:v5+s17+$0x0], $0xffff  }
0xf6: {  	v13 =	vld [tilespmem:s9+$0xFFFFFFA0]  }
0xf7: {  	v14 =	vld [tilespmem:s9+$0xFFFFFFB0]  }
0xf8: {  	v15 =	vld [tilespmem:s9+$0xFFFFFFC0]  }
0xf9: {  	v16 =	vld [tilespmem:s9+$0xFFFFFFD0]  }
0xfa: {  	v17 =	vld [tilespmem:s9+$0xFFFFFFE0];
	v3 =	vmul.f32 v2, v0;
	v1 =	vmul.f32 v1, v2  }
0xfb: {  	v18 =	vld [tilespmem:s9+$0xFFFFFFF0];
	v6 =	vmul.f32 v6, v2;
	v7 =	vmul.f32 v7, v2  }
0xfc: {  	v4 =	vld [tilespmem:s7+$0xFFFFFFA0];
	v8 =	vmul.f32 v8, v2;
	v9 =	vmul.f32 v9, v2;
	v3 =	vsub.f32 $1.024500000e+03, v3  }
0xfd: {  	s10 =	simm.s32 $0x570;
	v19 =	vld [tilespmem:s9+$0xFFFFFF90];
	v10 =	vmul.f32 v10, v2;
	v13 =	vmul.f32 v13, v2  }
0xfe: {  	v22 =	vld [tilespmem:s10+$0xFFFFFFB0];
	v14 =	vmul.f32 v14, v2;
	v15 =	vmul.f32 v15, v2;
	v1 =	vadd.f32 v1, v3  }
0xff: {  	v23 =	vld [tilespmem:s10+$0xFFFFFFC0];
	v16 =	vmul.f32 v16, v2;
	v17 =	vmul.f32 v17, v2  }
0x100: {  	v18 =	vmul.f32 v18, v2;
	v1 =	vtrunc.f32 v1  }
0x101: {  	v11 =	vcvt.f32.s32 v1;
	v1 =	vmul.f32 v4, v2  }
0x102: {  	v19 =	vmul.f32 v19, v2;
	v6 =	vadd.f32 v6, v3;
	v8 =	vadd.f32 v8, v3  }
0x103: {  	v22 =	vmul.f32 v22, v2;
	v9 =	vadd.f32 v9, v3;
	v12 =	vadd.f32 v1, v3  }
0x104: {  	v23 =	vmul.f32 v23, v2;
	v10 =	vadd.f32 v10, v3;
	v13 =	vadd.f32 v13, v3;
	v1 =	vld.idx.msk [tilespmem:v5+s15+$0x0], $0xffff  }
0x105: {  	v6 =	vtrunc.f32 v6;
	v5 =	vadd.f32 v7, v3;
	v7 =	vtrunc.f32 v12;
	v12 =	vld [tilespmem:s9+$0x0]  }
0x106: {  	v14 =	vadd.f32 v14, v3;
	v8 =	vtrunc.f32 v8;
	v9 =	vtrunc.f32 v9  }
0x107: {  	v15 =	vadd.f32 v15, v3;
	v10 =	vtrunc.f32 v10;
	v13 =	vtrunc.f32 v13  }
0x108: {  	v14 =	vtrunc.f32 v14;
	v8 =	vcvt.f32.s32 v8  }
0x109: {  	v16 =	vadd.f32 v16, v3;
	v15 =	vtrunc.f32 v15;
	v4 =	vld [tilespmem:s7+$0xFFFFFFF0];
	v9 =	vcvt.f32.s32 v9  }
0x10a: {  	v10 =	vcvt.f32.s32 v10;
	v12 =	vmul.f32 v12, v2  }
0x10b: {  	v20 =	vld [tilespmem:s10+$0x0];
	v17 =	vadd.f32 v17, v3;
	v16 =	vtrunc.f32 v16;
	v6 =	vcvt.f32.s32 v6  }
0x10c: {  	v21 =	vld [tilespmem:s10+$0xFFFFFFA0];
	v5 =	vtrunc.f32 v5;
	v7 =	vcvt.f32.s32 v7;
	v12 =	vadd.f32 v12, v3  }
0x10d: {  	v18 =	vadd.f32 v18, v3;
	v17 =	vtrunc.f32 v17;
	v5 =	vcvt.f32.s32 v5;
	v11 =	vld.idx.msk [tilespmem:v11+s19+$0x0], $0xffff  }
0x10e: {  	v19 =	vadd.f32 v19, v3;
	v4 =	vmul.f32 v4, v2;
	v8 =	vld.idx.msk [tilespmem:v8+s19+$0x0], $0xffff;
	v12 =	vtrunc.f32 v12  }
0x10f: {  	v18 =	vtrunc.f32 v18;
	v9 =	vld.idx.msk [tilespmem:v9+s19+$0x0], $0xffff;
	v12 =	vcvt.f32.s32 v12  }
0x110: {  	v19 =	vtrunc.f32 v19;
	v13 =	vcvt.f32.s32 v13;
	v10 =	vld.idx.msk [tilespmem:v10+s19+$0x0], $0xffff;
	v4 =	vadd.f32 v4, v3  }
0x111: {  	v14 =	vcvt.f32.s32 v14;
	v15 =	vcvt.f32.s32 v15;
	v6 =	vld.idx.msk [tilespmem:v6+s19+$0x0], $0xffff  }
0x112: {  	v19 =	vcvt.f32.s32 v19;
	v4 =	vtrunc.f32 v4;
	v7 =	vld.idx.msk [tilespmem:v7+s19+$0x0], $0xffff  }
0x113: {  	v4 =	vcvt.f32.s32 v4;
	v5 =	vld.idx.msk [tilespmem:v5+s19+$0x0], $0xffff;
	v26 =	vmul.f32 v8, v1  }
0x114: {  	v27 =	vmul.f32 v9, v1;
	v8 =	vld [tilespmem:s10+$0xFFFFFFE0];
	v9 =	vmul.f32 v20, v2  }
0x115: {  	v16 =	vcvt.f32.s32 v16;
	v17 =	vcvt.f32.s32 v17;
	v12 =	vld.idx.msk [tilespmem:v12+s19+$0x0], $0xffff  }
0x116: {  	v24 =	vld [tilespmem:s10+$0xFFFFFFD0];
	v18 =	vcvt.f32.s32 v18;
	v11 =	vmul.f32 v11, v1;
	v9 =	vadd.f32 v9, v3  }
0x117: {  	v23 =	vadd.f32 v23, v3;
	v10 =	vmul.f32 v10, v1;
	v6 =	vmul.f32 v6, v1;
	v20 =	vld [tilespmem:s10+$0xFFFFFFF0]  }
0x118: {  	v11 =	vadd.f32 v11, v0;
	v9 =	vtrunc.f32 v9;
	v7 =	vmul.f32 v7, v1  }
0x119: {  	v25 =	vadd.f32 v10, v0;
	v4 =	vld.idx.msk [tilespmem:v4+s19+$0x0], $0xffff;
	v5 =	vmul.f32 v5, v1;
	v8 =	vmul.f32 v8, v2  }
0x11a: {  	v7 =	vadd.f32 v7, v0;
	v10 =	vmul.f32 v12, v1;
	v12 =	vmul.f32 v21, v2;
	v21 =	vld [tilespmem:s10+$0xFFFFFF90]  }
0x11b: {  	s6 =	simm.s32 $0x8970;
	v63 =	vcvt.f32.s32 v9;
	v29 =	vadd.f32 v5, v0;
	v5 =	vld.idx.msk [tilespmem:v19+s19+$0x0], $0xffff;
	v19 =	vadd.f32 v22, v3  }
0x11c: {  	v6 =	vadd.f32 v6, v0;
	[tilespmem:s6+$0x0] =	vst v11;
	v20 =	vmul.f32 v20, v2;
	v22 =	vmul.f32 v24, v2  }
0x11d: {  	v11 =	vld.idx.msk [tilespmem:v15+s19+$0x0], $0xffff;
	v19 =	vtrunc.f32 v19;
	[tilespmem:s6+$0xFFFFFFA0] =	vst v7;
	v7 =	vtrunc.f32 v23  }
0x11e: {  	[tilespmem:s6+$0xFFFFFFB0] =	vst v6;
	v9 =	vld.idx.msk [tilespmem:v14+s19+$0x0], $0xffff;
	v14 =	vadd.f32 v22, v3;
	v4 =	vmul.f32 v4, v1;
	v6 =	vcvt.f32.s32 v19  }
0x11f: {  	v28 =	vadd.f32 v10, v0;
	v12 =	vadd.f32 v12, v3;
	v10 =	vld.idx.msk [tilespmem:v13+s19+$0x0], $0xffff;
	v15 =	vmul.f32 v21, v2  }
0x120: {  	v20 =	vadd.f32 v20, v3;
	v7 =	vcvt.f32.s32 v7;
	v13 =	vld.idx.msk [tilespmem:v16+s19+$0x0], $0xffff;
	v16 =	vtrunc.f32 v14  }
0x121: {  	[tilespmem:s6+$0xFFFFFF90] =	vst v25;
	v14 =	vld.idx.msk [tilespmem:v17+s19+$0x0], $0xffff;
	v12 =	vtrunc.f32 v12;
	v21 =	vadd.f32 v8, v3;
	v15 =	vadd.f32 v15, v3  }
0x122: {  	s1 =	simm.s32 $0x8B70;
	[tilespmem:s6+$0xFFFFFFC0] =	vst v29;
	v19 =	vadd.f32 v26, v0;
	v8 =	vcvt.f32.s32 v12;
	v12 =	vld.idx.msk [tilespmem:v18+s19+$0x0], $0xffff;
	v18 =	vtrunc.f32 v20  }
0x123: {  	s7 =	simm.s32 $0x10;
	s9 =	simm.s32 $0x770;
	[tilespmem:s1+$0x0] =	vst v28;
	v20 =	vadd.f32 v27, v0;
	v17 =	vtrunc.f32 v21;
	v21 =	vtrunc.f32 v15;
	v15 =	vld.idx.msk [tilespmem:v63+s19+$0x0], $0xffff  }
.LBB2_7:
0x124: {  	v22 =	vld [tilespmem:s9+$0x0];
	s7 =	sadd.s32 $0x8, s7;
	v21 =	vcvt.f32.s32 v21;
	v16 =	vcvt.f32.s32 v16;
	[tilespmem:s6+$0xFFFFFFD0] =	vst v19;
	v4 =	vadd.f32 v4, v0  }
0x125: {  	v17 =	vcvt.f32.s32 v17;
	v18 =	vcvt.f32.s32 v18;
	v19 =	vld [tilespmem:s9+$0xFFFFFFA0];
	p1 =	slt.u32 s7, $0xF8;
	[tilespmem:s6+$0xFFFFFFE0] =	vst v20  }
0x126: {  	v5 =	vmul.f32 v5, v1;
	v10 =	vmul.f32 v10, v1;
	v20 =	vld [tilespmem:s9+$0xFFFFFFB0];
	[tilespmem:s6+$0xFFFFFFF0] =	vst v4;
	s6 =	smov.u32 s1  }
0x127: {  	v4 =	vmul.f32 v9, v1;
	v9 =	vmul.f32 v11, v1;
	v23 =	vld [tilespmem:s9+$0xFFFFFFC0]  }
0x128: {  	v24 =	vmul.f32 v13, v1;
	v25 =	vmul.f32 v14, v1;
	v5 =	vadd.f32 v5, v0;
	v11 =	vld [tilespmem:s9+$0xFFFFFFD0]  }
0x129: {  	v10 =	vadd.f32 v10, v0;
	v15 =	vmul.f32 v15, v1;
	v13 =	vld [tilespmem:s9+$0xFFFFFFE0];
	v14 =	vmul.f32 v22, v2  }
0x12a: {  	v26 =	vadd.f32 v4, v0;
	v4 =	vmul.f32 v12, v1;
	v19 =	vmul.f32 v19, v2;
	v22 =	vld [tilespmem:s9+$0xFFFFFFF0];
	[tilespmem:s1+$0xFFFFFF90] =	vst v5  }
0x12b: {  	v15 =	vadd.f32 v15, v0;
	v12 =	vld [tilespmem:s9+$0xFFFFFF90];
	v20 =	vmul.f32 v20, v2;
	v14 =	vadd.f32 v14, v3;
	[tilespmem:s1+$0xFFFFFFA0] =	vst v10  }
0x12c: {  	s1 =	sadd.s32 $0x200, s1;
	v19 =	vadd.f32 v19, v3;
	v23 =	vmul.f32 v23, v2;
	v5 =	vld.idx.msk [tilespmem:v21+s19+$0x0], $0xffff;
	v21 =	vadd.f32 v9, v0  }
0x12d: {  	v20 =	vadd.f32 v20, v3;
	v11 =	vmul.f32 v11, v2;
	v9 =	vtrunc.f32 v14;
	v10 =	vld.idx.msk [tilespmem:v8+s19+$0x0], $0xffff;
	[tilespmem:s1+$0x0] =	vst v15  }
0x12e: {  	v8 =	vadd.f32 v23, v3;
	v13 =	vmul.f32 v13, v2;
	v15 =	vcvt.f32.s32 v9;
	v9 =	vld.idx.msk [tilespmem:v6+s19+$0x0], $0xffff;
	[tilespmem:s6+$0xFFFFFFB0] =	vst v26  }
0x12f: {  	v6 =	vtrunc.f32 v19;
	v14 =	vadd.f32 v11, v3;
	v19 =	vmul.f32 v22, v2;
	v11 =	vld.idx.msk [tilespmem:v7+s19+$0x0], $0xffff;
	[tilespmem:s6+$0xFFFFFFC0] =	vst v21  }
.Ltmp4:
0x130: {  	v20 =	vtrunc.f32 v20;
	v7 =	vmul.f32 v12, v2;
	v12 =	vadd.f32 v13, v3;
	v13 =	vld.idx.msk [tilespmem:v16+s19+$0x0], $0xffff;
	(pc) =	sbr.rel @p1 .LBB2_7-.Ltmp4, $4  }
0x131: {  	v22 =	vtrunc.f32 v8;
	v16 =	vtrunc.f32 v14;
	v19 =	vadd.f32 v19, v3;
	v14 =	vld.idx.msk [tilespmem:v17+s19+$0x0], $0xffff  }
0x132: {  	v8 =	vcvt.f32.s32 v6;
	v7 =	vadd.f32 v7, v3;
	v17 =	vtrunc.f32 v12;
	v12 =	vld.idx.msk [tilespmem:v18+s19+$0x0], $0xffff  }
0x133: {  	v6 =	vcvt.f32.s32 v20;
	v18 =	vtrunc.f32 v19;
	v19 =	vadd.f32 v24, v0  }
0x134: {  	s9 =	sadd.s32 $0x200, s9;
	v20 =	vadd.f32 v25, v0;
	v21 =	vtrunc.f32 v7;
	v7 =	vcvt.f32.s32 v22;
	v15 =	vld.idx.msk [tilespmem:v15+s19+$0x0], $0xffff  }
0x135: {  	v2 =	vcvt.f32.s32 v21;
	_ =	sdelay $0x2  }
0x136: {  	v3 =	vmul.f32 v5, v1  }
0x137: {  	v5 =	vcvt.f32.s32 v16;
	[tilespmem:s6+$0xFFFFFFD0] =	vst v19;
	v4 =	vadd.f32 v4, v0;
	v10 =	vmul.f32 v10, v1  }
0x138: {  	v16 =	vcvt.f32.s32 v17;
	[tilespmem:s6+$0xFFFFFFE0] =	vst v20;
	v3 =	vadd.f32 v3, v0;
	v15 =	vmul.f32 v15, v1  }
0x139: {  	v17 =	vcvt.f32.s32 v18;
	[tilespmem:s6+$0xFFFFFFF0] =	vst v4;
	v4 =	vmul.f32 v9, v1;
	v9 =	vadd.f32 v10, v0;
	v2 =	vld.idx.msk [tilespmem:v2+s19+$0x0], $0xffff  }
0x13a: {  	v8 =	vld.idx.msk [tilespmem:v8+s19+$0x0], $0xffff;
	v10 =	vmul.f32 v11, v1;
	[tilespmem:s1+$0xFFFFFF90] =	vst v3;
	v3 =	vadd.f32 v15, v0  }
0x13b: {  	s10 =	sadd.s32 $0x200, s1;
	v6 =	vld.idx.msk [tilespmem:v6+s19+$0x0], $0xffff;
	v11 =	vmul.f32 v13, v1;
	v4 =	vadd.f32 v4, v0;
	[tilespmem:s1+$0xFFFFFFA0] =	vst v9  }
0x13c: {  	v9 =	vmul.f32 v14, v1;
	v10 =	vadd.f32 v10, v0;
	[tilespmem:s10+$0x0] =	vst v3;
	v3 =	vld.idx.msk [tilespmem:v7+s19+$0x0], $0xffff  }
0x13d: {  	[tilespmem:s1+$0xFFFFFFB0] =	vst v4;
	v4 =	vld.idx.msk [tilespmem:v5+s19+$0x0], $0xffff;
	v5 =	vadd.f32 v11, v0;
	v7 =	vmul.f32 v12, v1  }
0x13e: {  	[tilespmem:s1+$0xFFFFFFC0] =	vst v10;
	v10 =	vld.idx.msk [tilespmem:v16+s19+$0x0], $0xffff;
	v9 =	vadd.f32 v9, v0;
	v2 =	vmul.f32 v2, v1  }
0x13f: {  	v11 =	vld.idx.msk [tilespmem:v17+s19+$0x0], $0xffff;
	[tilespmem:s1+$0xFFFFFFD0] =	vst v5;
	v5 =	vadd.f32 v7, v0;
	v7 =	vmul.f32 v8, v1  }
0x140: {  	v6 =	vmul.f32 v6, v1;
	[tilespmem:s1+$0xFFFFFFE0] =	vst v9;
	v2 =	vadd.f32 v2, v0  }
0x141: {  	s7 =	sor.u32 $0x3, s3;
	[tilespmem:s1+$0xFFFFFFF0] =	vst v5;
	v5 =	vadd.f32 v7, v0;
	v3 =	vmul.f32 v3, v1  }
0x142: {  	v4 =	vmul.f32 v4, v1;
	v7 =	vmov s7;
	[tilespmem:s10+$0xFFFFFF90] =	vst v2;
	v2 =	vadd.f32 v6, v0  }
0x143: {  	[tilespmem:s10+$0xFFFFFFA0] =	vst v5;
	v6 =	vand.u32 $0xFFFFFFFB, v7;
	v7 =	vmul.f32 v10, v1;
	v3 =	vadd.f32 v3, v0  }
0x144: {  	v1 =	vmul.f32 v11, v1;
	[tilespmem:s10+$0xFFFFFFB0] =	vst v2;
	v2 =	vadd.f32 v4, v0  }
0x145: {  	[tilespmem:s10+$0xFFFFFFC0] =	vst v3;
	v3 =	vadd.f32 v7, v0  }
0x146: {  	v0 =	vadd.f32 v1, v0;
	[tilespmem:s10+$0xFFFFFFD0] =	vst v2  }
0x147: {  	[tilespmem:s10+$0xFFFFFFE0] =	vst v3  }
0x148: {  	s7 =	simm.s32 $0x1F0;
	[tilespmem:s10+$0xFFFFFFF0] =	vst v0  }
0x149: {  	v5 =	vbroadcast v6, $0x0;
	v1 =	vld [tilespmem:s7+$0x0]  }
0x14a: {  	v6 =	vld [tilespmem:s7+$0xFFFFFFB0]  }
0x14b: {  	v7 =	vld [tilespmem:s7+$0xFFFFFFC0]  }
0x14c: {  	v8 =	vld [tilespmem:s7+$0xFFFFFFD0]  }
0x14d: {  	v9 =	vld [tilespmem:s7+$0xFFFFFFE0]  }
0x14e: {  	v10 =	vld [tilespmem:s7+$0xFFFFFF90]  }
0x14f: {  	v0 =	vld.idx.msk [tilespmem:v5+s18+$0x0], $0xffff  }
0x150: {  	s9 =	simm.s32 $0x3F0;
	v2 =	vld.idx.msk [tilespmem:v5+s17+$0x0], $0xffff  }
0x151: {  	v13 =	vld [tilespmem:s9+$0xFFFFFFA0]  }
0x152: {  	v14 =	vld [tilespmem:s9+$0xFFFFFFB0]  }
0x153: {  	v15 =	vld [tilespmem:s9+$0xFFFFFFC0]  }
0x154: {  	v16 =	vld [tilespmem:s9+$0xFFFFFFD0]  }
0x155: {  	v17 =	vld [tilespmem:s9+$0xFFFFFFE0];
	v3 =	vmul.f32 v2, v0;
	v1 =	vmul.f32 v1, v2  }
0x156: {  	v18 =	vld [tilespmem:s9+$0xFFFFFFF0];
	v6 =	vmul.f32 v6, v2;
	v7 =	vmul.f32 v7, v2  }
0x157: {  	v4 =	vld [tilespmem:s7+$0xFFFFFFA0];
	v8 =	vmul.f32 v8, v2;
	v9 =	vmul.f32 v9, v2;
	v3 =	vsub.f32 $1.024500000e+03, v3  }
0x158: {  	s10 =	simm.s32 $0x5F0;
	v19 =	vld [tilespmem:s9+$0xFFFFFF90];
	v10 =	vmul.f32 v10, v2;
	v13 =	vmul.f32 v13, v2  }
0x159: {  	v22 =	vld [tilespmem:s10+$0xFFFFFFB0];
	v14 =	vmul.f32 v14, v2;
	v15 =	vmul.f32 v15, v2;
	v1 =	vadd.f32 v1, v3  }
0x15a: {  	v23 =	vld [tilespmem:s10+$0xFFFFFFC0];
	v16 =	vmul.f32 v16, v2;
	v17 =	vmul.f32 v17, v2  }
0x15b: {  	v18 =	vmul.f32 v18, v2;
	v1 =	vtrunc.f32 v1  }
0x15c: {  	v11 =	vcvt.f32.s32 v1;
	v1 =	vmul.f32 v4, v2  }
0x15d: {  	v19 =	vmul.f32 v19, v2;
	v6 =	vadd.f32 v6, v3;
	v8 =	vadd.f32 v8, v3  }
0x15e: {  	v22 =	vmul.f32 v22, v2;
	v9 =	vadd.f32 v9, v3;
	v12 =	vadd.f32 v1, v3  }
0x15f: {  	v23 =	vmul.f32 v23, v2;
	v10 =	vadd.f32 v10, v3;
	v13 =	vadd.f32 v13, v3;
	v1 =	vld.idx.msk [tilespmem:v5+s15+$0x0], $0xffff  }
0x160: {  	v6 =	vtrunc.f32 v6;
	v5 =	vadd.f32 v7, v3;
	v7 =	vtrunc.f32 v12;
	v12 =	vld [tilespmem:s9+$0x0]  }
0x161: {  	v14 =	vadd.f32 v14, v3;
	v8 =	vtrunc.f32 v8;
	v9 =	vtrunc.f32 v9  }
0x162: {  	v15 =	vadd.f32 v15, v3;
	v10 =	vtrunc.f32 v10;
	v13 =	vtrunc.f32 v13  }
0x163: {  	v14 =	vtrunc.f32 v14;
	v8 =	vcvt.f32.s32 v8  }
0x164: {  	v16 =	vadd.f32 v16, v3;
	v15 =	vtrunc.f32 v15;
	v4 =	vld [tilespmem:s7+$0xFFFFFFF0];
	v9 =	vcvt.f32.s32 v9  }
0x165: {  	v10 =	vcvt.f32.s32 v10;
	v12 =	vmul.f32 v12, v2  }
0x166: {  	v20 =	vld [tilespmem:s10+$0x0];
	v17 =	vadd.f32 v17, v3;
	v16 =	vtrunc.f32 v16;
	v6 =	vcvt.f32.s32 v6  }
0x167: {  	v21 =	vld [tilespmem:s10+$0xFFFFFFA0];
	v5 =	vtrunc.f32 v5;
	v7 =	vcvt.f32.s32 v7;
	v12 =	vadd.f32 v12, v3  }
0x168: {  	v18 =	vadd.f32 v18, v3;
	v17 =	vtrunc.f32 v17;
	v5 =	vcvt.f32.s32 v5;
	v11 =	vld.idx.msk [tilespmem:v11+s19+$0x0], $0xffff  }
0x169: {  	v19 =	vadd.f32 v19, v3;
	v4 =	vmul.f32 v4, v2;
	v8 =	vld.idx.msk [tilespmem:v8+s19+$0x0], $0xffff;
	v12 =	vtrunc.f32 v12  }
0x16a: {  	v18 =	vtrunc.f32 v18;
	v9 =	vld.idx.msk [tilespmem:v9+s19+$0x0], $0xffff;
	v12 =	vcvt.f32.s32 v12  }
0x16b: {  	v19 =	vtrunc.f32 v19;
	v13 =	vcvt.f32.s32 v13;
	v10 =	vld.idx.msk [tilespmem:v10+s19+$0x0], $0xffff;
	v4 =	vadd.f32 v4, v3  }
0x16c: {  	v14 =	vcvt.f32.s32 v14;
	v15 =	vcvt.f32.s32 v15;
	v6 =	vld.idx.msk [tilespmem:v6+s19+$0x0], $0xffff  }
0x16d: {  	v19 =	vcvt.f32.s32 v19;
	v4 =	vtrunc.f32 v4;
	v7 =	vld.idx.msk [tilespmem:v7+s19+$0x0], $0xffff  }
0x16e: {  	v4 =	vcvt.f32.s32 v4;
	v5 =	vld.idx.msk [tilespmem:v5+s19+$0x0], $0xffff;
	v26 =	vmul.f32 v8, v1  }
0x16f: {  	v27 =	vmul.f32 v9, v1;
	v8 =	vld [tilespmem:s10+$0xFFFFFFE0];
	v9 =	vmul.f32 v20, v2  }
0x170: {  	v16 =	vcvt.f32.s32 v16;
	v17 =	vcvt.f32.s32 v17;
	v12 =	vld.idx.msk [tilespmem:v12+s19+$0x0], $0xffff  }
0x171: {  	v24 =	vld [tilespmem:s10+$0xFFFFFFD0];
	v18 =	vcvt.f32.s32 v18;
	v11 =	vmul.f32 v11, v1;
	v9 =	vadd.f32 v9, v3  }
0x172: {  	v23 =	vadd.f32 v23, v3;
	v10 =	vmul.f32 v10, v1;
	v6 =	vmul.f32 v6, v1;
	v20 =	vld [tilespmem:s10+$0xFFFFFFF0]  }
0x173: {  	v11 =	vadd.f32 v11, v0;
	v9 =	vtrunc.f32 v9;
	v7 =	vmul.f32 v7, v1  }
0x174: {  	v25 =	vadd.f32 v10, v0;
	v4 =	vld.idx.msk [tilespmem:v4+s19+$0x0], $0xffff;
	v5 =	vmul.f32 v5, v1;
	v8 =	vmul.f32 v8, v2  }
0x175: {  	v7 =	vadd.f32 v7, v0;
	v10 =	vmul.f32 v12, v1;
	v12 =	vmul.f32 v21, v2;
	v21 =	vld [tilespmem:s10+$0xFFFFFF90]  }
0x176: {  	s6 =	simm.s32 $0x89F0;
	v63 =	vcvt.f32.s32 v9;
	v29 =	vadd.f32 v5, v0;
	v5 =	vld.idx.msk [tilespmem:v19+s19+$0x0], $0xffff;
	v19 =	vadd.f32 v22, v3  }
0x177: {  	v6 =	vadd.f32 v6, v0;
	[tilespmem:s6+$0x0] =	vst v11;
	v20 =	vmul.f32 v20, v2;
	v22 =	vmul.f32 v24, v2  }
0x178: {  	v11 =	vld.idx.msk [tilespmem:v15+s19+$0x0], $0xffff;
	v19 =	vtrunc.f32 v19;
	[tilespmem:s6+$0xFFFFFFA0] =	vst v7;
	v7 =	vtrunc.f32 v23  }
0x179: {  	[tilespmem:s6+$0xFFFFFFB0] =	vst v6;
	v9 =	vld.idx.msk [tilespmem:v14+s19+$0x0], $0xffff;
	v14 =	vadd.f32 v22, v3;
	v4 =	vmul.f32 v4, v1;
	v6 =	vcvt.f32.s32 v19  }
0x17a: {  	v28 =	vadd.f32 v10, v0;
	v12 =	vadd.f32 v12, v3;
	v10 =	vld.idx.msk [tilespmem:v13+s19+$0x0], $0xffff;
	v15 =	vmul.f32 v21, v2  }
0x17b: {  	v20 =	vadd.f32 v20, v3;
	v7 =	vcvt.f32.s32 v7;
	v13 =	vld.idx.msk [tilespmem:v16+s19+$0x0], $0xffff;
	v16 =	vtrunc.f32 v14  }
0x17c: {  	[tilespmem:s6+$0xFFFFFF90] =	vst v25;
	v14 =	vld.idx.msk [tilespmem:v17+s19+$0x0], $0xffff;
	v12 =	vtrunc.f32 v12;
	v21 =	vadd.f32 v8, v3;
	v15 =	vadd.f32 v15, v3  }
0x17d: {  	s1 =	simm.s32 $0x8BF0;
	[tilespmem:s6+$0xFFFFFFC0] =	vst v29;
	v19 =	vadd.f32 v26, v0;
	v8 =	vcvt.f32.s32 v12;
	v12 =	vld.idx.msk [tilespmem:v18+s19+$0x0], $0xffff;
	v18 =	vtrunc.f32 v20  }
0x17e: {  	s7 =	simm.s32 $0x10;
	s9 =	simm.s32 $0x7F0;
	[tilespmem:s1+$0x0] =	vst v28;
	v20 =	vadd.f32 v27, v0;
	v17 =	vtrunc.f32 v21;
	v21 =	vtrunc.f32 v15;
	v15 =	vld.idx.msk [tilespmem:v63+s19+$0x0], $0xffff  }
.LBB2_9:
0x17f: {  	v22 =	vld [tilespmem:s9+$0x0];
	s7 =	sadd.s32 $0x8, s7;
	v21 =	vcvt.f32.s32 v21;
	v16 =	vcvt.f32.s32 v16;
	[tilespmem:s6+$0xFFFFFFD0] =	vst v19;
	v4 =	vadd.f32 v4, v0  }
0x180: {  	v17 =	vcvt.f32.s32 v17;
	v18 =	vcvt.f32.s32 v18;
	v19 =	vld [tilespmem:s9+$0xFFFFFFA0];
	p1 =	slt.u32 s7, $0xF8;
	[tilespmem:s6+$0xFFFFFFE0] =	vst v20  }
0x181: {  	v5 =	vmul.f32 v5, v1;
	v10 =	vmul.f32 v10, v1;
	v20 =	vld [tilespmem:s9+$0xFFFFFFB0];
	[tilespmem:s6+$0xFFFFFFF0] =	vst v4;
	s6 =	smov.u32 s1  }
0x182: {  	v4 =	vmul.f32 v9, v1;
	v9 =	vmul.f32 v11, v1;
	v23 =	vld [tilespmem:s9+$0xFFFFFFC0]  }
0x183: {  	v24 =	vmul.f32 v13, v1;
	v25 =	vmul.f32 v14, v1;
	v5 =	vadd.f32 v5, v0;
	v11 =	vld [tilespmem:s9+$0xFFFFFFD0]  }
0x184: {  	v10 =	vadd.f32 v10, v0;
	v15 =	vmul.f32 v15, v1;
	v13 =	vld [tilespmem:s9+$0xFFFFFFE0];
	v14 =	vmul.f32 v22, v2  }
0x185: {  	v26 =	vadd.f32 v4, v0;
	v4 =	vmul.f32 v12, v1;
	v19 =	vmul.f32 v19, v2;
	v22 =	vld [tilespmem:s9+$0xFFFFFFF0];
	[tilespmem:s1+$0xFFFFFF90] =	vst v5  }
0x186: {  	v15 =	vadd.f32 v15, v0;
	v12 =	vld [tilespmem:s9+$0xFFFFFF90];
	v20 =	vmul.f32 v20, v2;
	v14 =	vadd.f32 v14, v3;
	[tilespmem:s1+$0xFFFFFFA0] =	vst v10  }
0x187: {  	s1 =	sadd.s32 $0x200, s1;
	v19 =	vadd.f32 v19, v3;
	v23 =	vmul.f32 v23, v2;
	v5 =	vld.idx.msk [tilespmem:v21+s19+$0x0], $0xffff;
	v21 =	vadd.f32 v9, v0  }
0x188: {  	v20 =	vadd.f32 v20, v3;
	v11 =	vmul.f32 v11, v2;
	v9 =	vtrunc.f32 v14;
	v10 =	vld.idx.msk [tilespmem:v8+s19+$0x0], $0xffff;
	[tilespmem:s1+$0x0] =	vst v15  }
0x189: {  	v8 =	vadd.f32 v23, v3;
	v13 =	vmul.f32 v13, v2;
	v15 =	vcvt.f32.s32 v9;
	v9 =	vld.idx.msk [tilespmem:v6+s19+$0x0], $0xffff;
	[tilespmem:s6+$0xFFFFFFB0] =	vst v26  }
0x18a: {  	v6 =	vtrunc.f32 v19;
	v14 =	vadd.f32 v11, v3;
	v19 =	vmul.f32 v22, v2;
	v11 =	vld.idx.msk [tilespmem:v7+s19+$0x0], $0xffff;
	[tilespmem:s6+$0xFFFFFFC0] =	vst v21  }
.Ltmp5:
0x18b: {  	v20 =	vtrunc.f32 v20;
	v7 =	vmul.f32 v12, v2;
	v12 =	vadd.f32 v13, v3;
	v13 =	vld.idx.msk [tilespmem:v16+s19+$0x0], $0xffff;
	(pc) =	sbr.rel @p1 .LBB2_9-.Ltmp5, $4  }
0x18c: {  	v22 =	vtrunc.f32 v8;
	v16 =	vtrunc.f32 v14;
	v19 =	vadd.f32 v19, v3;
	v14 =	vld.idx.msk [tilespmem:v17+s19+$0x0], $0xffff  }
0x18d: {  	v8 =	vcvt.f32.s32 v6;
	v7 =	vadd.f32 v7, v3;
	v17 =	vtrunc.f32 v12;
	v12 =	vld.idx.msk [tilespmem:v18+s19+$0x0], $0xffff  }
0x18e: {  	v6 =	vcvt.f32.s32 v20;
	v18 =	vtrunc.f32 v19;
	v19 =	vadd.f32 v24, v0  }
0x18f: {  	s9 =	sadd.s32 $0x200, s9;
	v20 =	vadd.f32 v25, v0;
	v21 =	vtrunc.f32 v7;
	v7 =	vcvt.f32.s32 v22;
	v15 =	vld.idx.msk [tilespmem:v15+s19+$0x0], $0xffff  }
0x190: {  	_ = 	snop  }
0x191: {  	v2 =	vcvt.f32.s32 v21;
	v3 =	vmul.f32 v5, v1  }
0x192: {  	v40 =	vcvt.f32.s32 v16;
	[tilespmem:s6+$0xFFFFFFD0] =	vst v19;
	v4 =	vadd.f32 v4, v0;
	v10 =	vmul.f32 v10, v1  }
0x193: {  	v41 =	vcvt.f32.s32 v17;
	v43 =	vmul.f32 v9, v1;
	[tilespmem:s6+$0xFFFFFFE0] =	vst v20;
	v3 =	vadd.f32 v3, v0  }
0x194: {  	v42 =	vcvt.f32.s32 v18;
	v45 =	vmul.f32 v11, v1;
	v8 =	vld.idx.msk [tilespmem:v8+s19+$0x0], $0xffff;
	[tilespmem:s6+$0xFFFFFFF0] =	vst v4;
	v44 =	vadd.f32 v10, v0  }
0x195: {  	v47 =	vmul.f32 v13, v1;
	v6 =	vld.idx.msk [tilespmem:v6+s19+$0x0], $0xffff;
	v4 =	vadd.f32 v43, v0;
	[tilespmem:s1+$0xFFFFFF90] =	vst v3  }
0x196: {  	v48 =	vmul.f32 v14, v1;
	v49 =	vld.idx.msk [tilespmem:v7+s19+$0x0], $0xffff;
	v10 =	vadd.f32 v45, v0;
	[tilespmem:s1+$0xFFFFFFA0] =	vst v44  }
0x197: {  	v50 =	vmul.f32 v12, v1;
	v52 =	vadd.f32 v47, v0;
	[tilespmem:s1+$0xFFFFFFB0] =	vst v4;
	v2 =	vld.idx.msk [tilespmem:v2+s19+$0x0], $0xffff  }
0x198: {  	v9 =	vadd.f32 v48, v0;
	v15 =	vmul.f32 v15, v1;
	[tilespmem:s1+$0xFFFFFFC0] =	vst v10;
	v51 =	vld.idx.msk [tilespmem:v40+s19+$0x0], $0xffff  }
0x199: {  	[tilespmem:s1+$0xFFFFFFD0] =	vst v52;
	v55 =	vadd.f32 v50, v0;
	v56 =	vmul.f32 v8, v1;
	v53 =	vld.idx.msk [tilespmem:v41+s19+$0x0], $0xffff  }
0x19a: {  	[tilespmem:s1+$0xFFFFFFE0] =	vst v9;
	v6 =	vmul.f32 v6, v1;
	v46 =	vadd.f32 v15, v0;
	v54 =	vld.idx.msk [tilespmem:v42+s19+$0x0], $0xffff  }
0x19b: {  	s7 =	sadd.s32 $0x200, s1;
	[tilespmem:s1+$0xFFFFFFF0] =	vst v55;
	v3 =	vmul.f32 v49, v1;
	v57 =	vadd.f32 v56, v0  }
0x19c: {  	v58 =	vadd.f32 v6, v0;
	[tilespmem:s7+$0x0] =	vst v46;
	v2 =	vmul.f32 v2, v1  }
0x19d: {  	v3 =	vadd.f32 v3, v0;
	[tilespmem:s7+$0xFFFFFFA0] =	vst v57;
	v4 =	vmul.f32 v51, v1  }
0x19e: {  	[tilespmem:s7+$0xFFFFFFB0] =	vst v58;
	v59 =	vmul.f32 v53, v1;
	v2 =	vadd.f32 v2, v0  }
0x19f: {  	p1 =	sne.s32 s31, $0x7;
	[tilespmem:s7+$0xFFFFFFC0] =	vst v3;
	v60 =	vmul.f32 v54, v1;
	v61 =	vadd.f32 v4, v0  }
.Ltmp6:
0x1a0: {  	v62 =	vadd.f32 v59, v0;
	[tilespmem:s7+$0xFFFFFF90] =	vst v2;
	(pc) =	sbr.rel @p1 .LBB2_12-.Ltmp6, $4  }
0x1a1: {  	s9 =	sor.u32 s5, s3;
	v63 =	vadd.f32 v60, v0;
	[tilespmem:s7+$0xFFFFFFD0] =	vst v61  }
0x1a2: {  	s1 =	sshll.u32 s9, $0x9;
	[tilespmem:s7+$0xFFFFFFE0] =	vst v62  }
0x1a3: {  	s10 =	sadd.s32 s2, s1;
	[tilespmem:s7+$0xFFFFFFF0] =	vst v63  }
0x1a4: {  	[hbm4b:s10+s20] =	stream.strided.scatter [tilespmem:s24], [sflag:$0x3], $0x4000, s21, s20, $0x38;
	[tilespmem:$0x10980] =	vst v63  }
.Ltmp7:
0x1a5: {  	(pc) =	sbr.rel .LBB2_13-.Ltmp7, $4  }
0x1a6: {  	_ = 	snop  }
0x1a7: {  	_ =	swait.ge [sflag:s25], $0x4000  }
0x1a8: {  	[sflag:s25] =	ssyncset.done $0x0  }
0x1a9: {  	[sflag:s25] =	ssyncadd.s32 $0xFFFFC000  }
.LBB2_12:
.Ltmp8:
0x1aa: {  	s6 =	sadd.s32 s0, s11;
	(pc) =	sbr.rel @p0 .LBB2_14-.Ltmp8, $4  }
0x1ab: {  	[tilespmem:s4], [sflag:$0x1] =	stream.strided.gather [hbm4b:s6+s20], $0x4000, s21, s20, $0x38;
	[tilespmem:$0x10980] =	vst v63  }
0x1ac: {  	_ =	swait.ge [sflag:s25], $0x4000  }
0x1ad: {  	[sflag:s25] =	ssyncset.done $0x0  }
0x1ae: {  	[sflag:s25] =	ssyncadd.s32 $0xFFFFC000  }
.LBB2_13:
0x1af: {  	_ =	swait.ge [sflag:s26], $0x4000  }
0x1b0: {  	[sflag:s26] =	ssyncset.done $0x0  }
0x1b1: {  	[sflag:s26] =	ssyncadd.s32 $0xFFFFC000  }
.LBB2_14:
0x1b2: {  	s6 =	sor.u32 $0x4, s3;
	s7 =	simm.s32 $0x4040  }
0x1b3: {  	v0 =	vmov s6;
	v4 =	vld [tilespmem:s7+$0x30]  }
0x1b4: {  	v5 =	vld [tilespmem:s7+$0xFFFFFFD0];
	v0 =	vand.u32 $0xFFFFFFFC, v0  }
0x1b5: {  	v6 =	vld [tilespmem:s7+$0xFFFFFFE0];
	v1 =	vbroadcast v0, $0x0  }
0x1b6: {  	v7 =	vld [tilespmem:s7+$0xFFFFFFF0]  }
0x1b7: {  	v8 =	vld [tilespmem:s7+$0x0]  }
0x1b8: {  	v9 =	vld [tilespmem:s7+$0x10]  }
0x1b9: {  	v10 =	vld [tilespmem:s7+$0xFFFFFFC0]  }
0x1ba: {  	v11 =	vld [tilespmem:s7+$0x20]  }
0x1bb: {  	v0 =	vld.idx.msk [tilespmem:v1+s18+$0x0], $0xffff  }
0x1bc: {  	s9 =	simm.s32 $0x4240;
	v2 =	vld.idx.msk [tilespmem:v1+s17+$0x0], $0xffff  }
0x1bd: {  	v12 =	vld [tilespmem:s9+$0x30]  }
0x1be: {  	v13 =	vld [tilespmem:s9+$0xFFFFFFD0]  }
0x1bf: {  	v14 =	vld [tilespmem:s9+$0xFFFFFFE0]  }
0x1c0: {  	v15 =	vld [tilespmem:s9+$0xFFFFFFF0]  }
0x1c1: {  	v16 =	vld [tilespmem:s9+$0x0];
	v3 =	vmul.f32 v2, v0;
	v4 =	vmul.f32 v4, v2  }
0x1c2: {  	v17 =	vld [tilespmem:s9+$0x10];
	v5 =	vmul.f32 v5, v2;
	v6 =	vmul.f32 v6, v2  }
0x1c3: {  	v18 =	vld [tilespmem:s9+$0x20];
	v7 =	vmul.f32 v7, v2;
	v8 =	vmul.f32 v8, v2  }
0x1c4: {  	s10 =	simm.s32 $0x4440;
	v19 =	vld [tilespmem:s9+$0xFFFFFFC0];
	v9 =	vmul.f32 v9, v2;
	v10 =	vmul.f32 v10, v2  }
0x1c5: {  	v24 =	vld [tilespmem:s10+$0xFFFFFFF0];
	v11 =	vmul.f32 v11, v2;
	v12 =	vmul.f32 v12, v2  }
0x1c6: {  	v13 =	vmul.f32 v13, v2;
	v14 =	vmul.f32 v14, v2  }
0x1c7: {  	v15 =	vmul.f32 v15, v2;
	v16 =	vmul.f32 v16, v2;
	v3 =	vsub.f32 $1.024500000e+03, v3  }
0x1c8: {  	v17 =	vmul.f32 v17, v2;
	v18 =	vmul.f32 v18, v2  }
0x1c9: {  	v19 =	vmul.f32 v19, v2;
	v4 =	vadd.f32 v4, v3;
	v5 =	vadd.f32 v5, v3  }
0x1ca: {  	v24 =	vmul.f32 v24, v2;
	v6 =	vadd.f32 v6, v3;
	v7 =	vadd.f32 v7, v3  }
0x1cb: {  	v8 =	vadd.f32 v8, v3;
	v10 =	vadd.f32 v10, v3;
	v4 =	vtrunc.f32 v4  }
0x1cc: {  	v9 =	vadd.f32 v9, v3;
	v5 =	vtrunc.f32 v5;
	v6 =	vtrunc.f32 v6  }
0x1cd: {  	v11 =	vadd.f32 v11, v3;
	v10 =	vtrunc.f32 v10;
	v4 =	vcvt.f32.s32 v4  }
0x1ce: {  	v12 =	vadd.f32 v12, v3;
	v7 =	vtrunc.f32 v7;
	v10 =	vcvt.f32.s32 v10  }
0x1cf: {  	v13 =	vadd.f32 v13, v3;
	v8 =	vtrunc.f32 v8;
	v5 =	vcvt.f32.s32 v5  }
0x1d0: {  	v20 =	vld [tilespmem:s10+$0x30];
	v14 =	vadd.f32 v14, v3;
	v9 =	vtrunc.f32 v9;
	v6 =	vcvt.f32.s32 v6  }
0x1d1: {  	v21 =	vld [tilespmem:s10+$0xFFFFFFD0];
	v15 =	vadd.f32 v15, v3;
	v11 =	vtrunc.f32 v11;
	v8 =	vcvt.f32.s32 v8  }
0x1d2: {  	v1 =	vld.idx.msk [tilespmem:v1+s15+$0x0], $0xffff;
	v16 =	vadd.f32 v16, v3;
	v12 =	vtrunc.f32 v12;
	v9 =	vcvt.f32.s32 v9  }
0x1d3: {  	v17 =	vadd.f32 v17, v3;
	v13 =	vtrunc.f32 v13;
	v7 =	vcvt.f32.s32 v7;
	v4 =	vld.idx.msk [tilespmem:v4+s19+$0x0], $0xffff  }
0x1d4: {  	v18 =	vadd.f32 v18, v3;
	v14 =	vtrunc.f32 v14;
	v12 =	vcvt.f32.s32 v12;
	v10 =	vld.idx.msk [tilespmem:v10+s19+$0x0], $0xffff  }
0x1d5: {  	v19 =	vadd.f32 v19, v3;
	v15 =	vtrunc.f32 v15;
	v16 =	vtrunc.f32 v16;
	v5 =	vld.idx.msk [tilespmem:v5+s19+$0x0], $0xffff  }
0x1d6: {  	v17 =	vtrunc.f32 v17;
	v11 =	vcvt.f32.s32 v11;
	v6 =	vld.idx.msk [tilespmem:v6+s19+$0x0], $0xffff  }
0x1d7: {  	v18 =	vtrunc.f32 v18;
	v19 =	vtrunc.f32 v19;
	v8 =	vld.idx.msk [tilespmem:v8+s19+$0x0], $0xffff  }
0x1d8: {  	v13 =	vcvt.f32.s32 v13;
	v14 =	vcvt.f32.s32 v14;
	v9 =	vld.idx.msk [tilespmem:v9+s19+$0x0], $0xffff  }
0x1d9: {  	v15 =	vcvt.f32.s32 v15;
	v19 =	vcvt.f32.s32 v19;
	v7 =	vld.idx.msk [tilespmem:v7+s19+$0x0], $0xffff  }
0x1da: {  	v16 =	vcvt.f32.s32 v16;
	v17 =	vcvt.f32.s32 v17;
	v12 =	vld.idx.msk [tilespmem:v12+s19+$0x0], $0xffff  }
0x1db: {  	v22 =	vld [tilespmem:s10+$0xFFFFFFE0];
	v18 =	vcvt.f32.s32 v18;
	v4 =	vmul.f32 v4, v1  }
0x1dc: {  	v11 =	vld.idx.msk [tilespmem:v11+s19+$0x0], $0xffff;
	v10 =	vmul.f32 v10, v1;
	v5 =	vmul.f32 v5, v1  }
0x1dd: {  	v26 =	vmul.f32 v8, v1;
	v27 =	vmul.f32 v9, v1;
	v8 =	vld [tilespmem:s10+$0x10]  }
0x1de: {  	v9 =	vmul.f32 v20, v2;
	v20 =	vld [tilespmem:s10+$0x20];
	v23 =	vadd.f32 v4, v0;
	v4 =	vmul.f32 v6, v1  }
0x1df: {  	v6 =	vmul.f32 v7, v1;
	v7 =	vld [tilespmem:s10+$0x0];
	v25 =	vadd.f32 v10, v0;
	v10 =	vmul.f32 v12, v1  }
0x1e0: {  	v28 =	vld [tilespmem:s10+$0xFFFFFFC0];
	v12 =	vadd.f32 v5, v0;
	v5 =	vmul.f32 v21, v2;
	v9 =	vadd.f32 v9, v3  }
0x1e1: {  	v21 =	vadd.f32 v4, v0;
	v4 =	vmul.f32 v11, v1;
	v11 =	vmul.f32 v22, v2  }
0x1e2: {  	v22 =	vadd.f32 v10, v0;
	v29 =	vadd.f32 v5, v3;
	v9 =	vtrunc.f32 v9  }
0x1e3: {  	v30 =	vadd.f32 v6, v0;
	v5 =	vld.idx.msk [tilespmem:v19+s19+$0x0], $0xffff;
	v8 =	vmul.f32 v8, v2;
	v62 =	vcvt.f32.s32 v9  }
0x1e4: {  	s7 =	simm.s32 $0xC840;
	v19 =	vadd.f32 v24, v3;
	v9 =	vld.idx.msk [tilespmem:v14+s19+$0x0], $0xffff;
	v14 =	vmul.f32 v20, v2;
	v7 =	vmul.f32 v7, v2  }
0x1e5: {  	[tilespmem:s7+$0x30] =	vst v23;
	v6 =	vadd.f32 v11, v3;
	v23 =	vtrunc.f32 v29;
	v11 =	vld.idx.msk [tilespmem:v15+s19+$0x0], $0xffff;
	v15 =	vmul.f32 v28, v2  }
0x1e6: {  	v10 =	vld.idx.msk [tilespmem:v13+s19+$0x0], $0xffff;
	[tilespmem:s7+$0xFFFFFFC0] =	vst v25;
	v63 =	vtrunc.f32 v19;
	v20 =	vadd.f32 v8, v3;
	v7 =	vadd.f32 v7, v3  }
0x1e7: {  	s6 =	simm.s32 $0xCA40;
	[tilespmem:s7+$0xFFFFFFD0] =	vst v12;
	v13 =	vld.idx.msk [tilespmem:v16+s19+$0x0], $0xffff;
	v8 =	vcvt.f32.s32 v23;
	v6 =	vtrunc.f32 v6;
	v15 =	vadd.f32 v15, v3  }
0x1e8: {  	v12 =	vld.idx.msk [tilespmem:v18+s19+$0x0], $0xffff;
	[tilespmem:s6+$0x30] =	vst v22;
	v6 =	vcvt.f32.s32 v6;
	v16 =	vtrunc.f32 v7;
	v7 =	vadd.f32 v14, v3  }
0x1e9: {  	[tilespmem:s7+$0xFFFFFFE0] =	vst v21;
	v19 =	vadd.f32 v26, v0;
	v21 =	vtrunc.f32 v15;
	v14 =	vld.idx.msk [tilespmem:v17+s19+$0x0], $0xffff;
	v17 =	vtrunc.f32 v20  }
0x1ea: {  	s9 =	simm.s32 $0x10;
	s10 =	simm.s32 $0x4640;
	[tilespmem:s7+$0xFFFFFFF0] =	vst v30;
	v15 =	vld.idx.msk [tilespmem:v62+s19+$0x0], $0xffff;
	v20 =	vadd.f32 v27, v0;
	v18 =	vtrunc.f32 v7;
	v7 =	vcvt.f32.s32 v63  }
.LBB2_15:
0x1eb: {  	v22 =	vld [tilespmem:s10+$0x30];
	s9 =	sadd.s32 $0x8, s9;
	v21 =	vcvt.f32.s32 v21;
	v16 =	vcvt.f32.s32 v16;
	[tilespmem:s7+$0x0] =	vst v19;
	v4 =	vadd.f32 v4, v0  }
0x1ec: {  	v17 =	vcvt.f32.s32 v17;
	v18 =	vcvt.f32.s32 v18;
	v19 =	vld [tilespmem:s10+$0xFFFFFFD0];
	p0 =	slt.u32 s9, $0xF8;
	[tilespmem:s7+$0x10] =	vst v20  }
0x1ed: {  	v5 =	vmul.f32 v5, v1;
	v10 =	vmul.f32 v10, v1;
	v20 =	vld [tilespmem:s10+$0xFFFFFFE0];
	[tilespmem:s7+$0x20] =	vst v4;
	s7 =	smov.u32 s6  }
0x1ee: {  	v4 =	vmul.f32 v9, v1;
	v9 =	vmul.f32 v11, v1;
	v23 =	vld [tilespmem:s10+$0xFFFFFFF0]  }
0x1ef: {  	v24 =	vmul.f32 v13, v1;
	v25 =	vmul.f32 v14, v1;
	v5 =	vadd.f32 v5, v0;
	v11 =	vld [tilespmem:s10+$0x0]  }
0x1f0: {  	v10 =	vadd.f32 v10, v0;
	v15 =	vmul.f32 v15, v1;
	v13 =	vld [tilespmem:s10+$0x10];
	v14 =	vmul.f32 v22, v2  }
0x1f1: {  	v26 =	vadd.f32 v4, v0;
	v4 =	vmul.f32 v12, v1;
	v19 =	vmul.f32 v19, v2;
	v22 =	vld [tilespmem:s10+$0x20];
	[tilespmem:s6+$0xFFFFFFC0] =	vst v5  }
0x1f2: {  	v15 =	vadd.f32 v15, v0;
	v12 =	vld [tilespmem:s10+$0xFFFFFFC0];
	v20 =	vmul.f32 v20, v2;
	v14 =	vadd.f32 v14, v3;
	[tilespmem:s6+$0xFFFFFFD0] =	vst v10  }
0x1f3: {  	s6 =	sadd.s32 $0x200, s6;
	v19 =	vadd.f32 v19, v3;
	v23 =	vmul.f32 v23, v2;
	v5 =	vld.idx.msk [tilespmem:v21+s19+$0x0], $0xffff;
	v21 =	vadd.f32 v9, v0  }
0x1f4: {  	v20 =	vadd.f32 v20, v3;
	v11 =	vmul.f32 v11, v2;
	v9 =	vtrunc.f32 v14;
	v10 =	vld.idx.msk [tilespmem:v8+s19+$0x0], $0xffff;
	[tilespmem:s6+$0x30] =	vst v15  }
0x1f5: {  	v8 =	vadd.f32 v23, v3;
	v13 =	vmul.f32 v13, v2;
	v15 =	vcvt.f32.s32 v9;
	v9 =	vld.idx.msk [tilespmem:v6+s19+$0x0], $0xffff;
	[tilespmem:s7+$0xFFFFFFE0] =	vst v26  }
0x1f6: {  	v6 =	vtrunc.f32 v19;
	v14 =	vadd.f32 v11, v3;
	v19 =	vmul.f32 v22, v2;
	v11 =	vld.idx.msk [tilespmem:v7+s19+$0x0], $0xffff;
	[tilespmem:s7+$0xFFFFFFF0] =	vst v21  }
.Ltmp9:
0x1f7: {  	v20 =	vtrunc.f32 v20;
	v7 =	vmul.f32 v12, v2;
	v12 =	vadd.f32 v13, v3;
	v13 =	vld.idx.msk [tilespmem:v16+s19+$0x0], $0xffff;
	(pc) =	sbr.rel @p0 .LBB2_15-.Ltmp9, $4  }
0x1f8: {  	v22 =	vtrunc.f32 v8;
	v16 =	vtrunc.f32 v14;
	v19 =	vadd.f32 v19, v3;
	v14 =	vld.idx.msk [tilespmem:v17+s19+$0x0], $0xffff  }
0x1f9: {  	v8 =	vcvt.f32.s32 v6;
	v7 =	vadd.f32 v7, v3;
	v17 =	vtrunc.f32 v12;
	v12 =	vld.idx.msk [tilespmem:v18+s19+$0x0], $0xffff  }
0x1fa: {  	v6 =	vcvt.f32.s32 v20;
	v18 =	vtrunc.f32 v19;
	v19 =	vadd.f32 v24, v0  }
0x1fb: {  	s10 =	sadd.s32 $0x200, s10;
	v20 =	vadd.f32 v25, v0;
	v21 =	vtrunc.f32 v7;
	v7 =	vcvt.f32.s32 v22;
	v15 =	vld.idx.msk [tilespmem:v15+s19+$0x0], $0xffff  }
0x1fc: {  	v2 =	vcvt.f32.s32 v21;
	_ =	sdelay $0x2  }
0x1fd: {  	v3 =	vmul.f32 v5, v1  }
0x1fe: {  	v5 =	vcvt.f32.s32 v16;
	[tilespmem:s7+$0x0] =	vst v19;
	v4 =	vadd.f32 v4, v0;
	v10 =	vmul.f32 v10, v1  }
0x1ff: {  	v16 =	vcvt.f32.s32 v17;
	[tilespmem:s7+$0x10] =	vst v20;
	v3 =	vadd.f32 v3, v0;
	v15 =	vmul.f32 v15, v1  }
0x200: {  	v17 =	vcvt.f32.s32 v18;
	[tilespmem:s7+$0x20] =	vst v4;
	v4 =	vmul.f32 v9, v1;
	v9 =	vadd.f32 v10, v0;
	v2 =	vld.idx.msk [tilespmem:v2+s19+$0x0], $0xffff  }
0x201: {  	v8 =	vld.idx.msk [tilespmem:v8+s19+$0x0], $0xffff;
	v10 =	vmul.f32 v11, v1;
	[tilespmem:s6+$0xFFFFFFC0] =	vst v3;
	v3 =	vadd.f32 v15, v0  }
0x202: {  	s10 =	sadd.s32 $0x200, s6;
	v6 =	vld.idx.msk [tilespmem:v6+s19+$0x0], $0xffff;
	v11 =	vmul.f32 v13, v1;
	v4 =	vadd.f32 v4, v0;
	[tilespmem:s6+$0xFFFFFFD0] =	vst v9  }
0x203: {  	v9 =	vmul.f32 v14, v1;
	v10 =	vadd.f32 v10, v0;
	[tilespmem:s10+$0x30] =	vst v3;
	v3 =	vld.idx.msk [tilespmem:v7+s19+$0x0], $0xffff  }
0x204: {  	[tilespmem:s6+$0xFFFFFFE0] =	vst v4;
	v4 =	vld.idx.msk [tilespmem:v5+s19+$0x0], $0xffff;
	v5 =	vadd.f32 v11, v0;
	v7 =	vmul.f32 v12, v1  }
0x205: {  	[tilespmem:s6+$0xFFFFFFF0] =	vst v10;
	v10 =	vld.idx.msk [tilespmem:v16+s19+$0x0], $0xffff;
	v9 =	vadd.f32 v9, v0;
	v2 =	vmul.f32 v2, v1  }
0x206: {  	v11 =	vld.idx.msk [tilespmem:v17+s19+$0x0], $0xffff;
	[tilespmem:s6+$0x0] =	vst v5;
	v5 =	vadd.f32 v7, v0;
	v7 =	vmul.f32 v8, v1  }
0x207: {  	v6 =	vmul.f32 v6, v1;
	[tilespmem:s6+$0x10] =	vst v9;
	v2 =	vadd.f32 v2, v0  }
0x208: {  	s9 =	sor.u32 $0x5, s3;
	[tilespmem:s6+$0x20] =	vst v5;
	v5 =	vadd.f32 v7, v0;
	v3 =	vmul.f32 v3, v1  }
0x209: {  	v4 =	vmul.f32 v4, v1;
	v7 =	vmov s9;
	[tilespmem:s10+$0xFFFFFFC0] =	vst v2;
	v2 =	vadd.f32 v6, v0  }
0x20a: {  	[tilespmem:s10+$0xFFFFFFD0] =	vst v5;
	v6 =	vand.u32 $0xFFFFFFFD, v7;
	v7 =	vmul.f32 v10, v1;
	v3 =	vadd.f32 v3, v0  }
0x20b: {  	v1 =	vmul.f32 v11, v1;
	[tilespmem:s10+$0xFFFFFFE0] =	vst v2;
	v2 =	vadd.f32 v4, v0  }
0x20c: {  	[tilespmem:s10+$0xFFFFFFF0] =	vst v3;
	v3 =	vadd.f32 v7, v0  }
0x20d: {  	v0 =	vadd.f32 v1, v0;
	[tilespmem:s10+$0x0] =	vst v2  }
0x20e: {  	[tilespmem:s10+$0x10] =	vst v3  }
0x20f: {  	s7 =	simm.s32 $0x40F0;
	[tilespmem:s10+$0x20] =	vst v0  }
0x210: {  	v5 =	vbroadcast v6, $0x0;
	v1 =	vld [tilespmem:s7+$0x0]  }
0x211: {  	v6 =	vld [tilespmem:s7+$0xFFFFFFB0]  }
0x212: {  	v7 =	vld [tilespmem:s7+$0xFFFFFFC0]  }
0x213: {  	v8 =	vld [tilespmem:s7+$0xFFFFFFD0]  }
0x214: {  	v9 =	vld [tilespmem:s7+$0xFFFFFFE0]  }
0x215: {  	v10 =	vld [tilespmem:s7+$0xFFFFFF90]  }
0x216: {  	v0 =	vld.idx.msk [tilespmem:v5+s18+$0x0], $0xffff  }
0x217: {  	s9 =	simm.s32 $0x42F0;
	v2 =	vld.idx.msk [tilespmem:v5+s17+$0x0], $0xffff  }
0x218: {  	v13 =	vld [tilespmem:s9+$0xFFFFFFA0]  }
0x219: {  	v14 =	vld [tilespmem:s9+$0xFFFFFFB0]  }
0x21a: {  	v15 =	vld [tilespmem:s9+$0xFFFFFFC0]  }
0x21b: {  	v16 =	vld [tilespmem:s9+$0xFFFFFFD0]  }
0x21c: {  	v17 =	vld [tilespmem:s9+$0xFFFFFFE0];
	v3 =	vmul.f32 v2, v0;
	v1 =	vmul.f32 v1, v2  }
0x21d: {  	v18 =	vld [tilespmem:s9+$0xFFFFFFF0];
	v6 =	vmul.f32 v6, v2;
	v7 =	vmul.f32 v7, v2  }
0x21e: {  	v4 =	vld [tilespmem:s7+$0xFFFFFFA0];
	v8 =	vmul.f32 v8, v2;
	v9 =	vmul.f32 v9, v2;
	v3 =	vsub.f32 $1.024500000e+03, v3  }
0x21f: {  	s10 =	simm.s32 $0x44F0;
	v19 =	vld [tilespmem:s9+$0xFFFFFF90];
	v10 =	vmul.f32 v10, v2;
	v13 =	vmul.f32 v13, v2  }
0x220: {  	v22 =	vld [tilespmem:s10+$0xFFFFFFB0];
	v14 =	vmul.f32 v14, v2;
	v15 =	vmul.f32 v15, v2;
	v1 =	vadd.f32 v1, v3  }
0x221: {  	v23 =	vld [tilespmem:s10+$0xFFFFFFC0];
	v16 =	vmul.f32 v16, v2;
	v17 =	vmul.f32 v17, v2  }
0x222: {  	v18 =	vmul.f32 v18, v2;
	v1 =	vtrunc.f32 v1  }
0x223: {  	v11 =	vcvt.f32.s32 v1;
	v1 =	vmul.f32 v4, v2  }
0x224: {  	v19 =	vmul.f32 v19, v2;
	v6 =	vadd.f32 v6, v3;
	v8 =	vadd.f32 v8, v3  }
0x225: {  	v22 =	vmul.f32 v22, v2;
	v9 =	vadd.f32 v9, v3;
	v12 =	vadd.f32 v1, v3  }
0x226: {  	v23 =	vmul.f32 v23, v2;
	v10 =	vadd.f32 v10, v3;
	v13 =	vadd.f32 v13, v3;
	v1 =	vld.idx.msk [tilespmem:v5+s15+$0x0], $0xffff  }
0x227: {  	v6 =	vtrunc.f32 v6;
	v5 =	vadd.f32 v7, v3;
	v7 =	vtrunc.f32 v12;
	v12 =	vld [tilespmem:s9+$0x0]  }
0x228: {  	v14 =	vadd.f32 v14, v3;
	v8 =	vtrunc.f32 v8;
	v9 =	vtrunc.f32 v9  }
0x229: {  	v15 =	vadd.f32 v15, v3;
	v10 =	vtrunc.f32 v10;
	v13 =	vtrunc.f32 v13  }
0x22a: {  	v14 =	vtrunc.f32 v14;
	v8 =	vcvt.f32.s32 v8  }
0x22b: {  	v16 =	vadd.f32 v16, v3;
	v15 =	vtrunc.f32 v15;
	v4 =	vld [tilespmem:s7+$0xFFFFFFF0];
	v9 =	vcvt.f32.s32 v9  }
0x22c: {  	v10 =	vcvt.f32.s32 v10;
	v12 =	vmul.f32 v12, v2  }
0x22d: {  	v20 =	vld [tilespmem:s10+$0x0];
	v17 =	vadd.f32 v17, v3;
	v16 =	vtrunc.f32 v16;
	v6 =	vcvt.f32.s32 v6  }
0x22e: {  	v21 =	vld [tilespmem:s10+$0xFFFFFFA0];
	v5 =	vtrunc.f32 v5;
	v7 =	vcvt.f32.s32 v7;
	v12 =	vadd.f32 v12, v3  }
0x22f: {  	v18 =	vadd.f32 v18, v3;
	v17 =	vtrunc.f32 v17;
	v5 =	vcvt.f32.s32 v5;
	v11 =	vld.idx.msk [tilespmem:v11+s19+$0x0], $0xffff  }
0x230: {  	v19 =	vadd.f32 v19, v3;
	v4 =	vmul.f32 v4, v2;
	v8 =	vld.idx.msk [tilespmem:v8+s19+$0x0], $0xffff;
	v12 =	vtrunc.f32 v12  }
0x231: {  	v18 =	vtrunc.f32 v18;
	v9 =	vld.idx.msk [tilespmem:v9+s19+$0x0], $0xffff;
	v12 =	vcvt.f32.s32 v12  }
0x232: {  	v19 =	vtrunc.f32 v19;
	v13 =	vcvt.f32.s32 v13;
	v10 =	vld.idx.msk [tilespmem:v10+s19+$0x0], $0xffff;
	v4 =	vadd.f32 v4, v3  }
0x233: {  	v14 =	vcvt.f32.s32 v14;
	v15 =	vcvt.f32.s32 v15;
	v6 =	vld.idx.msk [tilespmem:v6+s19+$0x0], $0xffff  }
0x234: {  	v19 =	vcvt.f32.s32 v19;
	v4 =	vtrunc.f32 v4;
	v7 =	vld.idx.msk [tilespmem:v7+s19+$0x0], $0xffff  }
0x235: {  	v4 =	vcvt.f32.s32 v4;
	v5 =	vld.idx.msk [tilespmem:v5+s19+$0x0], $0xffff;
	v26 =	vmul.f32 v8, v1  }
0x236: {  	v27 =	vmul.f32 v9, v1;
	v8 =	vld [tilespmem:s10+$0xFFFFFFE0];
	v9 =	vmul.f32 v20, v2  }
0x237: {  	v16 =	vcvt.f32.s32 v16;
	v17 =	vcvt.f32.s32 v17;
	v12 =	vld.idx.msk [tilespmem:v12+s19+$0x0], $0xffff  }
0x238: {  	v24 =	vld [tilespmem:s10+$0xFFFFFFD0];
	v18 =	vcvt.f32.s32 v18;
	v11 =	vmul.f32 v11, v1;
	v9 =	vadd.f32 v9, v3  }
0x239: {  	v23 =	vadd.f32 v23, v3;
	v10 =	vmul.f32 v10, v1;
	v6 =	vmul.f32 v6, v1;
	v20 =	vld [tilespmem:s10+$0xFFFFFFF0]  }
0x23a: {  	v11 =	vadd.f32 v11, v0;
	v9 =	vtrunc.f32 v9;
	v7 =	vmul.f32 v7, v1  }
0x23b: {  	v25 =	vadd.f32 v10, v0;
	v4 =	vld.idx.msk [tilespmem:v4+s19+$0x0], $0xffff;
	v5 =	vmul.f32 v5, v1;
	v8 =	vmul.f32 v8, v2  }
0x23c: {  	v7 =	vadd.f32 v7, v0;
	v10 =	vmul.f32 v12, v1;
	v12 =	vmul.f32 v21, v2;
	v21 =	vld [tilespmem:s10+$0xFFFFFF90]  }
0x23d: {  	s7 =	simm.s32 $0xC8F0;
	v63 =	vcvt.f32.s32 v9;
	v29 =	vadd.f32 v5, v0;
	v5 =	vld.idx.msk [tilespmem:v19+s19+$0x0], $0xffff;
	v19 =	vadd.f32 v22, v3  }
0x23e: {  	v6 =	vadd.f32 v6, v0;
	[tilespmem:s7+$0x0] =	vst v11;
	v20 =	vmul.f32 v20, v2;
	v22 =	vmul.f32 v24, v2  }
0x23f: {  	v11 =	vld.idx.msk [tilespmem:v15+s19+$0x0], $0xffff;
	v19 =	vtrunc.f32 v19;
	[tilespmem:s7+$0xFFFFFFA0] =	vst v7;
	v7 =	vtrunc.f32 v23  }
0x240: {  	[tilespmem:s7+$0xFFFFFFB0] =	vst v6;
	v9 =	vld.idx.msk [tilespmem:v14+s19+$0x0], $0xffff;
	v14 =	vadd.f32 v22, v3;
	v4 =	vmul.f32 v4, v1;
	v6 =	vcvt.f32.s32 v19  }
0x241: {  	v28 =	vadd.f32 v10, v0;
	v12 =	vadd.f32 v12, v3;
	v10 =	vld.idx.msk [tilespmem:v13+s19+$0x0], $0xffff;
	v15 =	vmul.f32 v21, v2  }
0x242: {  	v20 =	vadd.f32 v20, v3;
	v7 =	vcvt.f32.s32 v7;
	v13 =	vld.idx.msk [tilespmem:v16+s19+$0x0], $0xffff;
	v16 =	vtrunc.f32 v14  }
0x243: {  	[tilespmem:s7+$0xFFFFFF90] =	vst v25;
	v14 =	vld.idx.msk [tilespmem:v17+s19+$0x0], $0xffff;
	v12 =	vtrunc.f32 v12;
	v21 =	vadd.f32 v8, v3;
	v15 =	vadd.f32 v15, v3  }
0x244: {  	s6 =	simm.s32 $0xCAF0;
	[tilespmem:s7+$0xFFFFFFC0] =	vst v29;
	v19 =	vadd.f32 v26, v0;
	v8 =	vcvt.f32.s32 v12;
	v12 =	vld.idx.msk [tilespmem:v18+s19+$0x0], $0xffff;
	v18 =	vtrunc.f32 v20  }
0x245: {  	s9 =	simm.s32 $0x10;
	s10 =	simm.s32 $0x46F0;
	[tilespmem:s6+$0x0] =	vst v28;
	v20 =	vadd.f32 v27, v0;
	v17 =	vtrunc.f32 v21;
	v21 =	vtrunc.f32 v15;
	v15 =	vld.idx.msk [tilespmem:v63+s19+$0x0], $0xffff  }
.LBB2_17:
0x246: {  	v22 =	vld [tilespmem:s10+$0x0];
	s9 =	sadd.s32 $0x8, s9;
	v21 =	vcvt.f32.s32 v21;
	v16 =	vcvt.f32.s32 v16;
	[tilespmem:s7+$0xFFFFFFD0] =	vst v19;
	v4 =	vadd.f32 v4, v0  }
0x247: {  	v17 =	vcvt.f32.s32 v17;
	v18 =	vcvt.f32.s32 v18;
	v19 =	vld [tilespmem:s10+$0xFFFFFFA0];
	p0 =	slt.u32 s9, $0xF8;
	[tilespmem:s7+$0xFFFFFFE0] =	vst v20  }
0x248: {  	v5 =	vmul.f32 v5, v1;
	v10 =	vmul.f32 v10, v1;
	v20 =	vld [tilespmem:s10+$0xFFFFFFB0];
	[tilespmem:s7+$0xFFFFFFF0] =	vst v4;
	s7 =	smov.u32 s6  }
0x249: {  	v4 =	vmul.f32 v9, v1;
	v9 =	vmul.f32 v11, v1;
	v23 =	vld [tilespmem:s10+$0xFFFFFFC0]  }
0x24a: {  	v24 =	vmul.f32 v13, v1;
	v25 =	vmul.f32 v14, v1;
	v5 =	vadd.f32 v5, v0;
	v11 =	vld [tilespmem:s10+$0xFFFFFFD0]  }
0x24b: {  	v10 =	vadd.f32 v10, v0;
	v15 =	vmul.f32 v15, v1;
	v13 =	vld [tilespmem:s10+$0xFFFFFFE0];
	v14 =	vmul.f32 v22, v2  }
0x24c: {  	v26 =	vadd.f32 v4, v0;
	v4 =	vmul.f32 v12, v1;
	v19 =	vmul.f32 v19, v2;
	v22 =	vld [tilespmem:s10+$0xFFFFFFF0];
	[tilespmem:s6+$0xFFFFFF90] =	vst v5  }
0x24d: {  	v15 =	vadd.f32 v15, v0;
	v12 =	vld [tilespmem:s10+$0xFFFFFF90];
	v20 =	vmul.f32 v20, v2;
	v14 =	vadd.f32 v14, v3;
	[tilespmem:s6+$0xFFFFFFA0] =	vst v10  }
0x24e: {  	s6 =	sadd.s32 $0x200, s6;
	v19 =	vadd.f32 v19, v3;
	v23 =	vmul.f32 v23, v2;
	v5 =	vld.idx.msk [tilespmem:v21+s19+$0x0], $0xffff;
	v21 =	vadd.f32 v9, v0  }
0x24f: {  	v20 =	vadd.f32 v20, v3;
	v11 =	vmul.f32 v11, v2;
	v9 =	vtrunc.f32 v14;
	v10 =	vld.idx.msk [tilespmem:v8+s19+$0x0], $0xffff;
	[tilespmem:s6+$0x0] =	vst v15  }
0x250: {  	v8 =	vadd.f32 v23, v3;
	v13 =	vmul.f32 v13, v2;
	v15 =	vcvt.f32.s32 v9;
	v9 =	vld.idx.msk [tilespmem:v6+s19+$0x0], $0xffff;
	[tilespmem:s7+$0xFFFFFFB0] =	vst v26  }
0x251: {  	v6 =	vtrunc.f32 v19;
	v14 =	vadd.f32 v11, v3;
	v19 =	vmul.f32 v22, v2;
	v11 =	vld.idx.msk [tilespmem:v7+s19+$0x0], $0xffff;
	[tilespmem:s7+$0xFFFFFFC0] =	vst v21  }
.Ltmp10:
0x252: {  	v20 =	vtrunc.f32 v20;
	v7 =	vmul.f32 v12, v2;
	v12 =	vadd.f32 v13, v3;
	v13 =	vld.idx.msk [tilespmem:v16+s19+$0x0], $0xffff;
	(pc) =	sbr.rel @p0 .LBB2_17-.Ltmp10, $4  }
0x253: {  	v22 =	vtrunc.f32 v8;
	v16 =	vtrunc.f32 v14;
	v19 =	vadd.f32 v19, v3;
	v14 =	vld.idx.msk [tilespmem:v17+s19+$0x0], $0xffff  }
0x254: {  	v8 =	vcvt.f32.s32 v6;
	v7 =	vadd.f32 v7, v3;
	v17 =	vtrunc.f32 v12;
	v12 =	vld.idx.msk [tilespmem:v18+s19+$0x0], $0xffff  }
0x255: {  	v6 =	vcvt.f32.s32 v20;
	v18 =	vtrunc.f32 v19;
	v19 =	vadd.f32 v24, v0  }
0x256: {  	s10 =	sadd.s32 $0x200, s10;
	v20 =	vadd.f32 v25, v0;
	v21 =	vtrunc.f32 v7;
	v7 =	vcvt.f32.s32 v22;
	v15 =	vld.idx.msk [tilespmem:v15+s19+$0x0], $0xffff  }
0x257: {  	v2 =	vcvt.f32.s32 v21;
	_ =	sdelay $0x2  }
0x258: {  	v3 =	vmul.f32 v5, v1  }
0x259: {  	v5 =	vcvt.f32.s32 v16;
	[tilespmem:s7+$0xFFFFFFD0] =	vst v19;
	v4 =	vadd.f32 v4, v0;
	v10 =	vmul.f32 v10, v1  }
0x25a: {  	v16 =	vcvt.f32.s32 v17;
	[tilespmem:s7+$0xFFFFFFE0] =	vst v20;
	v3 =	vadd.f32 v3, v0;
	v15 =	vmul.f32 v15, v1  }
0x25b: {  	v17 =	vcvt.f32.s32 v18;
	[tilespmem:s7+$0xFFFFFFF0] =	vst v4;
	v4 =	vmul.f32 v9, v1;
	v9 =	vadd.f32 v10, v0;
	v2 =	vld.idx.msk [tilespmem:v2+s19+$0x0], $0xffff  }
0x25c: {  	v8 =	vld.idx.msk [tilespmem:v8+s19+$0x0], $0xffff;
	v10 =	vmul.f32 v11, v1;
	[tilespmem:s6+$0xFFFFFF90] =	vst v3;
	v3 =	vadd.f32 v15, v0  }
0x25d: {  	s10 =	sadd.s32 $0x200, s6;
	v6 =	vld.idx.msk [tilespmem:v6+s19+$0x0], $0xffff;
	v11 =	vmul.f32 v13, v1;
	v4 =	vadd.f32 v4, v0;
	[tilespmem:s6+$0xFFFFFFA0] =	vst v9  }
0x25e: {  	v9 =	vmul.f32 v14, v1;
	v10 =	vadd.f32 v10, v0;
	[tilespmem:s10+$0x0] =	vst v3;
	v3 =	vld.idx.msk [tilespmem:v7+s19+$0x0], $0xffff  }
0x25f: {  	[tilespmem:s6+$0xFFFFFFB0] =	vst v4;
	v4 =	vld.idx.msk [tilespmem:v5+s19+$0x0], $0xffff;
	v5 =	vadd.f32 v11, v0;
	v7 =	vmul.f32 v12, v1  }
0x260: {  	[tilespmem:s6+$0xFFFFFFC0] =	vst v10;
	v10 =	vld.idx.msk [tilespmem:v16+s19+$0x0], $0xffff;
	v9 =	vadd.f32 v9, v0;
	v2 =	vmul.f32 v2, v1  }
0x261: {  	v11 =	vld.idx.msk [tilespmem:v17+s19+$0x0], $0xffff;
	[tilespmem:s6+$0xFFFFFFD0] =	vst v5;
	v5 =	vadd.f32 v7, v0;
	v7 =	vmul.f32 v8, v1  }
0x262: {  	v6 =	vmul.f32 v6, v1;
	[tilespmem:s6+$0xFFFFFFE0] =	vst v9;
	v2 =	vadd.f32 v2, v0  }
0x263: {  	s9 =	sor.u32 $0x6, s3;
	[tilespmem:s6+$0xFFFFFFF0] =	vst v5;
	v5 =	vadd.f32 v7, v0;
	v3 =	vmul.f32 v3, v1  }
0x264: {  	v4 =	vmul.f32 v4, v1;
	v7 =	vmov s9;
	[tilespmem:s10+$0xFFFFFF90] =	vst v2;
	v2 =	vadd.f32 v6, v0  }
0x265: {  	[tilespmem:s10+$0xFFFFFFA0] =	vst v5;
	v6 =	vand.u32 $0xFFFFFFFE, v7;
	v7 =	vmul.f32 v10, v1;
	v3 =	vadd.f32 v3, v0  }
0x266: {  	v1 =	vmul.f32 v11, v1;
	[tilespmem:s10+$0xFFFFFFB0] =	vst v2;
	v2 =	vadd.f32 v4, v0  }
0x267: {  	[tilespmem:s10+$0xFFFFFFC0] =	vst v3;
	v3 =	vadd.f32 v7, v0  }
0x268: {  	v0 =	vadd.f32 v1, v0;
	[tilespmem:s10+$0xFFFFFFD0] =	vst v2  }
0x269: {  	[tilespmem:s10+$0xFFFFFFE0] =	vst v3  }
0x26a: {  	s7 =	simm.s32 $0x4170;
	[tilespmem:s10+$0xFFFFFFF0] =	vst v0  }
0x26b: {  	v5 =	vbroadcast v6, $0x0;
	v1 =	vld [tilespmem:s7+$0x0]  }
0x26c: {  	v6 =	vld [tilespmem:s7+$0xFFFFFFB0]  }
0x26d: {  	v7 =	vld [tilespmem:s7+$0xFFFFFFC0]  }
0x26e: {  	v8 =	vld [tilespmem:s7+$0xFFFFFFD0]  }
0x26f: {  	v9 =	vld [tilespmem:s7+$0xFFFFFFE0]  }
0x270: {  	v10 =	vld [tilespmem:s7+$0xFFFFFF90]  }
0x271: {  	v0 =	vld.idx.msk [tilespmem:v5+s18+$0x0], $0xffff  }
0x272: {  	s9 =	simm.s32 $0x4370;
	v2 =	vld.idx.msk [tilespmem:v5+s17+$0x0], $0xffff  }
0x273: {  	v13 =	vld [tilespmem:s9+$0xFFFFFFA0]  }
0x274: {  	v14 =	vld [tilespmem:s9+$0xFFFFFFB0]  }
0x275: {  	v15 =	vld [tilespmem:s9+$0xFFFFFFC0]  }
0x276: {  	v16 =	vld [tilespmem:s9+$0xFFFFFFD0]  }
0x277: {  	v17 =	vld [tilespmem:s9+$0xFFFFFFE0];
	v3 =	vmul.f32 v2, v0;
	v1 =	vmul.f32 v1, v2  }
0x278: {  	v18 =	vld [tilespmem:s9+$0xFFFFFFF0];
	v6 =	vmul.f32 v6, v2;
	v7 =	vmul.f32 v7, v2  }
0x279: {  	v4 =	vld [tilespmem:s7+$0xFFFFFFA0];
	v8 =	vmul.f32 v8, v2;
	v9 =	vmul.f32 v9, v2;
	v3 =	vsub.f32 $1.024500000e+03, v3  }
0x27a: {  	s10 =	simm.s32 $0x4570;
	v19 =	vld [tilespmem:s9+$0xFFFFFF90];
	v10 =	vmul.f32 v10, v2;
	v13 =	vmul.f32 v13, v2  }
0x27b: {  	v22 =	vld [tilespmem:s10+$0xFFFFFFB0];
	v14 =	vmul.f32 v14, v2;
	v15 =	vmul.f32 v15, v2;
	v1 =	vadd.f32 v1, v3  }
0x27c: {  	v23 =	vld [tilespmem:s10+$0xFFFFFFC0];
	v16 =	vmul.f32 v16, v2;
	v17 =	vmul.f32 v17, v2  }
0x27d: {  	v18 =	vmul.f32 v18, v2;
	v1 =	vtrunc.f32 v1  }
0x27e: {  	v11 =	vcvt.f32.s32 v1;
	v1 =	vmul.f32 v4, v2  }
0x27f: {  	v19 =	vmul.f32 v19, v2;
	v6 =	vadd.f32 v6, v3;
	v8 =	vadd.f32 v8, v3  }
0x280: {  	v22 =	vmul.f32 v22, v2;
	v9 =	vadd.f32 v9, v3;
	v12 =	vadd.f32 v1, v3  }
0x281: {  	v23 =	vmul.f32 v23, v2;
	v10 =	vadd.f32 v10, v3;
	v13 =	vadd.f32 v13, v3;
	v1 =	vld.idx.msk [tilespmem:v5+s15+$0x0], $0xffff  }
0x282: {  	v6 =	vtrunc.f32 v6;
	v5 =	vadd.f32 v7, v3;
	v7 =	vtrunc.f32 v12;
	v12 =	vld [tilespmem:s9+$0x0]  }
0x283: {  	v14 =	vadd.f32 v14, v3;
	v8 =	vtrunc.f32 v8;
	v9 =	vtrunc.f32 v9  }
0x284: {  	v15 =	vadd.f32 v15, v3;
	v10 =	vtrunc.f32 v10;
	v13 =	vtrunc.f32 v13  }
0x285: {  	v14 =	vtrunc.f32 v14;
	v8 =	vcvt.f32.s32 v8  }
0x286: {  	v16 =	vadd.f32 v16, v3;
	v15 =	vtrunc.f32 v15;
	v4 =	vld [tilespmem:s7+$0xFFFFFFF0];
	v9 =	vcvt.f32.s32 v9  }
0x287: {  	v10 =	vcvt.f32.s32 v10;
	v12 =	vmul.f32 v12, v2  }
0x288: {  	v20 =	vld [tilespmem:s10+$0x0];
	v17 =	vadd.f32 v17, v3;
	v16 =	vtrunc.f32 v16;
	v6 =	vcvt.f32.s32 v6  }
0x289: {  	v21 =	vld [tilespmem:s10+$0xFFFFFFA0];
	v5 =	vtrunc.f32 v5;
	v7 =	vcvt.f32.s32 v7;
	v12 =	vadd.f32 v12, v3  }
0x28a: {  	v18 =	vadd.f32 v18, v3;
	v17 =	vtrunc.f32 v17;
	v5 =	vcvt.f32.s32 v5;
	v11 =	vld.idx.msk [tilespmem:v11+s19+$0x0], $0xffff  }
0x28b: {  	v19 =	vadd.f32 v19, v3;
	v4 =	vmul.f32 v4, v2;
	v8 =	vld.idx.msk [tilespmem:v8+s19+$0x0], $0xffff;
	v12 =	vtrunc.f32 v12  }
0x28c: {  	v18 =	vtrunc.f32 v18;
	v9 =	vld.idx.msk [tilespmem:v9+s19+$0x0], $0xffff;
	v12 =	vcvt.f32.s32 v12  }
0x28d: {  	v19 =	vtrunc.f32 v19;
	v13 =	vcvt.f32.s32 v13;
	v10 =	vld.idx.msk [tilespmem:v10+s19+$0x0], $0xffff;
	v4 =	vadd.f32 v4, v3  }
0x28e: {  	v14 =	vcvt.f32.s32 v14;
	v15 =	vcvt.f32.s32 v15;
	v6 =	vld.idx.msk [tilespmem:v6+s19+$0x0], $0xffff  }
0x28f: {  	v19 =	vcvt.f32.s32 v19;
	v4 =	vtrunc.f32 v4;
	v7 =	vld.idx.msk [tilespmem:v7+s19+$0x0], $0xffff  }
0x290: {  	v4 =	vcvt.f32.s32 v4;
	v5 =	vld.idx.msk [tilespmem:v5+s19+$0x0], $0xffff;
	v26 =	vmul.f32 v8, v1  }
0x291: {  	v27 =	vmul.f32 v9, v1;
	v8 =	vld [tilespmem:s10+$0xFFFFFFE0];
	v9 =	vmul.f32 v20, v2  }
0x292: {  	v16 =	vcvt.f32.s32 v16;
	v17 =	vcvt.f32.s32 v17;
	v12 =	vld.idx.msk [tilespmem:v12+s19+$0x0], $0xffff  }
0x293: {  	v24 =	vld [tilespmem:s10+$0xFFFFFFD0];
	v18 =	vcvt.f32.s32 v18;
	v11 =	vmul.f32 v11, v1;
	v9 =	vadd.f32 v9, v3  }
0x294: {  	v23 =	vadd.f32 v23, v3;
	v10 =	vmul.f32 v10, v1;
	v6 =	vmul.f32 v6, v1;
	v20 =	vld [tilespmem:s10+$0xFFFFFFF0]  }
0x295: {  	v11 =	vadd.f32 v11, v0;
	v9 =	vtrunc.f32 v9;
	v7 =	vmul.f32 v7, v1  }
0x296: {  	v25 =	vadd.f32 v10, v0;
	v4 =	vld.idx.msk [tilespmem:v4+s19+$0x0], $0xffff;
	v5 =	vmul.f32 v5, v1;
	v8 =	vmul.f32 v8, v2  }
0x297: {  	v7 =	vadd.f32 v7, v0;
	v10 =	vmul.f32 v12, v1;
	v12 =	vmul.f32 v21, v2;
	v21 =	vld [tilespmem:s10+$0xFFFFFF90]  }
0x298: {  	s7 =	simm.s32 $0xC970;
	v63 =	vcvt.f32.s32 v9;
	v29 =	vadd.f32 v5, v0;
	v5 =	vld.idx.msk [tilespmem:v19+s19+$0x0], $0xffff;
	v19 =	vadd.f32 v22, v3  }
0x299: {  	v6 =	vadd.f32 v6, v0;
	[tilespmem:s7+$0x0] =	vst v11;
	v20 =	vmul.f32 v20, v2;
	v22 =	vmul.f32 v24, v2  }
0x29a: {  	v11 =	vld.idx.msk [tilespmem:v15+s19+$0x0], $0xffff;
	v19 =	vtrunc.f32 v19;
	[tilespmem:s7+$0xFFFFFFA0] =	vst v7;
	v7 =	vtrunc.f32 v23  }
0x29b: {  	[tilespmem:s7+$0xFFFFFFB0] =	vst v6;
	v9 =	vld.idx.msk [tilespmem:v14+s19+$0x0], $0xffff;
	v14 =	vadd.f32 v22, v3;
	v4 =	vmul.f32 v4, v1;
	v6 =	vcvt.f32.s32 v19  }
0x29c: {  	v28 =	vadd.f32 v10, v0;
	v12 =	vadd.f32 v12, v3;
	v10 =	vld.idx.msk [tilespmem:v13+s19+$0x0], $0xffff;
	v15 =	vmul.f32 v21, v2  }
0x29d: {  	v20 =	vadd.f32 v20, v3;
	v7 =	vcvt.f32.s32 v7;
	v13 =	vld.idx.msk [tilespmem:v16+s19+$0x0], $0xffff;
	v16 =	vtrunc.f32 v14  }
0x29e: {  	[tilespmem:s7+$0xFFFFFF90] =	vst v25;
	v14 =	vld.idx.msk [tilespmem:v17+s19+$0x0], $0xffff;
	v12 =	vtrunc.f32 v12;
	v21 =	vadd.f32 v8, v3;
	v15 =	vadd.f32 v15, v3  }
0x29f: {  	s6 =	simm.s32 $0xCB70;
	[tilespmem:s7+$0xFFFFFFC0] =	vst v29;
	v19 =	vadd.f32 v26, v0;
	v8 =	vcvt.f32.s32 v12;
	v12 =	vld.idx.msk [tilespmem:v18+s19+$0x0], $0xffff;
	v18 =	vtrunc.f32 v20  }
0x2a0: {  	s9 =	simm.s32 $0x10;
	s10 =	simm.s32 $0x4770;
	[tilespmem:s6+$0x0] =	vst v28;
	v20 =	vadd.f32 v27, v0;
	v17 =	vtrunc.f32 v21;
	v21 =	vtrunc.f32 v15;
	v15 =	vld.idx.msk [tilespmem:v63+s19+$0x0], $0xffff  }
.LBB2_19:
0x2a1: {  	v22 =	vld [tilespmem:s10+$0x0];
	s9 =	sadd.s32 $0x8, s9;
	v21 =	vcvt.f32.s32 v21;
	v16 =	vcvt.f32.s32 v16;
	[tilespmem:s7+$0xFFFFFFD0] =	vst v19;
	v4 =	vadd.f32 v4, v0  }
0x2a2: {  	v17 =	vcvt.f32.s32 v17;
	v18 =	vcvt.f32.s32 v18;
	v19 =	vld [tilespmem:s10+$0xFFFFFFA0];
	p0 =	slt.u32 s9, $0xF8;
	[tilespmem:s7+$0xFFFFFFE0] =	vst v20  }
0x2a3: {  	v5 =	vmul.f32 v5, v1;
	v10 =	vmul.f32 v10, v1;
	v20 =	vld [tilespmem:s10+$0xFFFFFFB0];
	[tilespmem:s7+$0xFFFFFFF0] =	vst v4;
	s7 =	smov.u32 s6  }
0x2a4: {  	v4 =	vmul.f32 v9, v1;
	v9 =	vmul.f32 v11, v1;
	v23 =	vld [tilespmem:s10+$0xFFFFFFC0]  }
0x2a5: {  	v24 =	vmul.f32 v13, v1;
	v25 =	vmul.f32 v14, v1;
	v5 =	vadd.f32 v5, v0;
	v11 =	vld [tilespmem:s10+$0xFFFFFFD0]  }
0x2a6: {  	v10 =	vadd.f32 v10, v0;
	v15 =	vmul.f32 v15, v1;
	v13 =	vld [tilespmem:s10+$0xFFFFFFE0];
	v14 =	vmul.f32 v22, v2  }
0x2a7: {  	v26 =	vadd.f32 v4, v0;
	v4 =	vmul.f32 v12, v1;
	v19 =	vmul.f32 v19, v2;
	v22 =	vld [tilespmem:s10+$0xFFFFFFF0];
	[tilespmem:s6+$0xFFFFFF90] =	vst v5  }
0x2a8: {  	v15 =	vadd.f32 v15, v0;
	v12 =	vld [tilespmem:s10+$0xFFFFFF90];
	v20 =	vmul.f32 v20, v2;
	v14 =	vadd.f32 v14, v3;
	[tilespmem:s6+$0xFFFFFFA0] =	vst v10  }
0x2a9: {  	s6 =	sadd.s32 $0x200, s6;
	v19 =	vadd.f32 v19, v3;
	v23 =	vmul.f32 v23, v2;
	v5 =	vld.idx.msk [tilespmem:v21+s19+$0x0], $0xffff;
	v21 =	vadd.f32 v9, v0  }
0x2aa: {  	v20 =	vadd.f32 v20, v3;
	v11 =	vmul.f32 v11, v2;
	v9 =	vtrunc.f32 v14;
	v10 =	vld.idx.msk [tilespmem:v8+s19+$0x0], $0xffff;
	[tilespmem:s6+$0x0] =	vst v15  }
0x2ab: {  	v8 =	vadd.f32 v23, v3;
	v13 =	vmul.f32 v13, v2;
	v15 =	vcvt.f32.s32 v9;
	v9 =	vld.idx.msk [tilespmem:v6+s19+$0x0], $0xffff;
	[tilespmem:s7+$0xFFFFFFB0] =	vst v26  }
0x2ac: {  	v6 =	vtrunc.f32 v19;
	v14 =	vadd.f32 v11, v3;
	v19 =	vmul.f32 v22, v2;
	v11 =	vld.idx.msk [tilespmem:v7+s19+$0x0], $0xffff;
	[tilespmem:s7+$0xFFFFFFC0] =	vst v21  }
.Ltmp11:
0x2ad: {  	v20 =	vtrunc.f32 v20;
	v7 =	vmul.f32 v12, v2;
	v12 =	vadd.f32 v13, v3;
	v13 =	vld.idx.msk [tilespmem:v16+s19+$0x0], $0xffff;
	(pc) =	sbr.rel @p0 .LBB2_19-.Ltmp11, $4  }
0x2ae: {  	v22 =	vtrunc.f32 v8;
	v16 =	vtrunc.f32 v14;
	v19 =	vadd.f32 v19, v3;
	v14 =	vld.idx.msk [tilespmem:v17+s19+$0x0], $0xffff  }
0x2af: {  	v8 =	vcvt.f32.s32 v6;
	v7 =	vadd.f32 v7, v3;
	v17 =	vtrunc.f32 v12;
	v12 =	vld.idx.msk [tilespmem:v18+s19+$0x0], $0xffff  }
0x2b0: {  	v6 =	vcvt.f32.s32 v20;
	v18 =	vtrunc.f32 v19;
	v19 =	vadd.f32 v24, v0  }
0x2b1: {  	s10 =	sadd.s32 $0x200, s10;
	v20 =	vadd.f32 v25, v0;
	v21 =	vtrunc.f32 v7;
	v7 =	vcvt.f32.s32 v22;
	v15 =	vld.idx.msk [tilespmem:v15+s19+$0x0], $0xffff  }
0x2b2: {  	v2 =	vcvt.f32.s32 v21;
	_ =	sdelay $0x2  }
0x2b3: {  	v3 =	vmul.f32 v5, v1  }
0x2b4: {  	v5 =	vcvt.f32.s32 v16;
	[tilespmem:s7+$0xFFFFFFD0] =	vst v19;
	v4 =	vadd.f32 v4, v0;
	v10 =	vmul.f32 v10, v1  }
0x2b5: {  	v16 =	vcvt.f32.s32 v17;
	[tilespmem:s7+$0xFFFFFFE0] =	vst v20;
	v3 =	vadd.f32 v3, v0;
	v15 =	vmul.f32 v15, v1  }
0x2b6: {  	v17 =	vcvt.f32.s32 v18;
	[tilespmem:s7+$0xFFFFFFF0] =	vst v4;
	v4 =	vmul.f32 v9, v1;
	v9 =	vadd.f32 v10, v0;
	v2 =	vld.idx.msk [tilespmem:v2+s19+$0x0], $0xffff  }
0x2b7: {  	v8 =	vld.idx.msk [tilespmem:v8+s19+$0x0], $0xffff;
	v10 =	vmul.f32 v11, v1;
	[tilespmem:s6+$0xFFFFFF90] =	vst v3;
	v3 =	vadd.f32 v15, v0  }
0x2b8: {  	s10 =	sadd.s32 $0x200, s6;
	v6 =	vld.idx.msk [tilespmem:v6+s19+$0x0], $0xffff;
	v11 =	vmul.f32 v13, v1;
	v4 =	vadd.f32 v4, v0;
	[tilespmem:s6+$0xFFFFFFA0] =	vst v9  }
0x2b9: {  	v9 =	vmul.f32 v14, v1;
	v10 =	vadd.f32 v10, v0;
	[tilespmem:s10+$0x0] =	vst v3;
	v3 =	vld.idx.msk [tilespmem:v7+s19+$0x0], $0xffff  }
0x2ba: {  	[tilespmem:s6+$0xFFFFFFB0] =	vst v4;
	v4 =	vld.idx.msk [tilespmem:v5+s19+$0x0], $0xffff;
	v5 =	vadd.f32 v11, v0;
	v7 =	vmul.f32 v12, v1  }
0x2bb: {  	[tilespmem:s6+$0xFFFFFFC0] =	vst v10;
	v10 =	vld.idx.msk [tilespmem:v16+s19+$0x0], $0xffff;
	v9 =	vadd.f32 v9, v0;
	v2 =	vmul.f32 v2, v1  }
0x2bc: {  	v11 =	vld.idx.msk [tilespmem:v17+s19+$0x0], $0xffff;
	[tilespmem:s6+$0xFFFFFFD0] =	vst v5;
	v5 =	vadd.f32 v7, v0;
	v7 =	vmul.f32 v8, v1  }
0x2bd: {  	v6 =	vmul.f32 v6, v1;
	[tilespmem:s6+$0xFFFFFFE0] =	vst v9;
	v2 =	vadd.f32 v2, v0  }
0x2be: {  	[tilespmem:s6+$0xFFFFFFF0] =	vst v5;
	v5 =	vadd.f32 v7, v0;
	v3 =	vmul.f32 v3, v1  }
0x2bf: {  	v4 =	vmul.f32 v4, v1;
	[tilespmem:s10+$0xFFFFFF90] =	vst v2;
	v2 =	vadd.f32 v6, v0  }
0x2c0: {  	[tilespmem:s10+$0xFFFFFFA0] =	vst v5;
	v6 =	vmul.f32 v10, v1;
	v3 =	vadd.f32 v3, v0  }
0x2c1: {  	v1 =	vmul.f32 v11, v1;
	[tilespmem:s10+$0xFFFFFFB0] =	vst v2;
	v2 =	vadd.f32 v4, v0  }
0x2c2: {  	[tilespmem:s10+$0xFFFFFFC0] =	vst v3;
	v3 =	vadd.f32 v6, v0  }
0x2c3: {  	v0 =	vadd.f32 v1, v0;
	[tilespmem:s10+$0xFFFFFFD0] =	vst v2  }
0x2c4: {  	[tilespmem:s10+$0xFFFFFFE0] =	vst v3  }
0x2c5: {  	s7 =	simm.s32 $0x41F0;
	[tilespmem:s10+$0xFFFFFFF0] =	vst v0  }
0x2c6: {  	s3 =	sor.u32 $0x7, s3;
	v1 =	vld [tilespmem:s7+$0x0]  }
0x2c7: {  	v4 =	vmov s3;
	v5 =	vld [tilespmem:s7+$0xFFFFFFA0]  }
0x2c8: {  	v6 =	vld [tilespmem:s7+$0xFFFFFFB0]  }
0x2c9: {  	v7 =	vld [tilespmem:s7+$0xFFFFFFC0]  }
0x2ca: {  	v8 =	vld [tilespmem:s7+$0xFFFFFFD0]  }
0x2cb: {  	v9 =	vld [tilespmem:s7+$0xFFFFFFE0]  }
0x2cc: {  	v0 =	vld.idx.msk [tilespmem:v4+s18+$0x0], $0xffff  }
0x2cd: {  	v2 =	vld.idx.msk [tilespmem:v4+s17+$0x0], $0xffff  }
0x2ce: {  	s9 =	simm.s32 $0x43F0;
	v10 =	vld [tilespmem:s7+$0xFFFFFF90]  }
0x2cf: {  	v13 =	vld [tilespmem:s9+$0xFFFFFFA0]  }
0x2d0: {  	v14 =	vld [tilespmem:s9+$0xFFFFFFB0]  }
0x2d1: {  	v15 =	vld [tilespmem:s9+$0xFFFFFFC0]  }
0x2d2: {  	v16 =	vld [tilespmem:s9+$0xFFFFFFD0];
	v3 =	vmul.f32 v2, v0  }
0x2d3: {  	v17 =	vld [tilespmem:s9+$0xFFFFFFE0];
	v1 =	vmul.f32 v1, v2;
	v6 =	vmul.f32 v6, v2  }
0x2d4: {  	v18 =	vld [tilespmem:s9+$0xFFFFFFF0];
	v7 =	vmul.f32 v7, v2;
	v8 =	vmul.f32 v8, v2;
	v3 =	vsub.f32 $1.024500000e+03, v3  }
0x2d5: {  	s10 =	simm.s32 $0x45F0;
	v19 =	vld [tilespmem:s9+$0xFFFFFF90];
	v9 =	vmul.f32 v9, v2;
	v10 =	vmul.f32 v10, v2  }
0x2d6: {  	v22 =	vld [tilespmem:s10+$0xFFFFFFB0];
	v13 =	vmul.f32 v13, v2;
	v14 =	vmul.f32 v14, v2;
	v1 =	vadd.f32 v1, v3  }
0x2d7: {  	v23 =	vld [tilespmem:s10+$0xFFFFFFC0];
	v15 =	vmul.f32 v15, v2;
	v16 =	vmul.f32 v16, v2  }
0x2d8: {  	v17 =	vmul.f32 v17, v2;
	v1 =	vtrunc.f32 v1  }
0x2d9: {  	v11 =	vcvt.f32.s32 v1;
	v1 =	vmul.f32 v5, v2  }
0x2da: {  	v18 =	vmul.f32 v18, v2;
	v19 =	vmul.f32 v19, v2;
	v6 =	vadd.f32 v6, v3  }
0x2db: {  	v22 =	vmul.f32 v22, v2;
	v8 =	vadd.f32 v8, v3;
	v12 =	vadd.f32 v1, v3  }
0x2dc: {  	v23 =	vmul.f32 v23, v2;
	v9 =	vadd.f32 v9, v3;
	v10 =	vadd.f32 v10, v3;
	v1 =	vld.idx.msk [tilespmem:v4+s15+$0x0], $0xffff  }
0x2dd: {  	v13 =	vadd.f32 v13, v3;
	v4 =	vadd.f32 v7, v3;
	v7 =	vtrunc.f32 v12;
	v12 =	vld [tilespmem:s9+$0x0]  }
0x2de: {  	v14 =	vadd.f32 v14, v3;
	v6 =	vtrunc.f32 v6;
	v8 =	vtrunc.f32 v8  }
0x2df: {  	v15 =	vadd.f32 v15, v3;
	v9 =	vtrunc.f32 v9;
	v10 =	vtrunc.f32 v10;
	v5 =	vld [tilespmem:s7+$0xFFFFFFF0]  }
0x2e0: {  	v13 =	vtrunc.f32 v13;
	v14 =	vtrunc.f32 v14  }
0x2e1: {  	v16 =	vadd.f32 v16, v3;
	v15 =	vtrunc.f32 v15;
	v9 =	vcvt.f32.s32 v9  }
0x2e2: {  	v10 =	vcvt.f32.s32 v10;
	v12 =	vmul.f32 v12, v2  }
0x2e3: {  	v20 =	vld [tilespmem:s10+$0x0];
	v17 =	vadd.f32 v17, v3;
	v16 =	vtrunc.f32 v16;
	v8 =	vcvt.f32.s32 v8  }
0x2e4: {  	v21 =	vld [tilespmem:s10+$0xFFFFFFA0];
	v6 =	vcvt.f32.s32 v6;
	v5 =	vmul.f32 v5, v2;
	v12 =	vadd.f32 v12, v3  }
0x2e5: {  	v25 =	vld [tilespmem:s10+$0xFFFFFFD0];
	v18 =	vadd.f32 v18, v3;
	v4 =	vtrunc.f32 v4;
	v7 =	vcvt.f32.s32 v7  }
0x2e6: {  	v4 =	vcvt.f32.s32 v4;
	v11 =	vld.idx.msk [tilespmem:v11+s19+$0x0], $0xffff;
	v5 =	vadd.f32 v5, v3;
	v12 =	vtrunc.f32 v12  }
0x2e7: {  	v19 =	vadd.f32 v19, v3;
	v17 =	vtrunc.f32 v17;
	v9 =	vld.idx.msk [tilespmem:v9+s19+$0x0], $0xffff;
	v12 =	vcvt.f32.s32 v12  }
0x2e8: {  	v18 =	vtrunc.f32 v18;
	v10 =	vld.idx.msk [tilespmem:v10+s19+$0x0], $0xffff;
	v5 =	vtrunc.f32 v5  }
0x2e9: {  	v19 =	vtrunc.f32 v19;
	v8 =	vld.idx.msk [tilespmem:v8+s19+$0x0], $0xffff;
	v5 =	vcvt.f32.s32 v5  }
0x2ea: {  	v13 =	vcvt.f32.s32 v13;
	v14 =	vcvt.f32.s32 v14;
	v6 =	vld.idx.msk [tilespmem:v6+s19+$0x0], $0xffff  }
0x2eb: {  	v15 =	vcvt.f32.s32 v15;
	v19 =	vcvt.f32.s32 v19;
	v7 =	vld.idx.msk [tilespmem:v7+s19+$0x0], $0xffff  }
0x2ec: {  	v4 =	vld.idx.msk [tilespmem:v4+s19+$0x0], $0xffff;
	v28 =	vmul.f32 v9, v1;
	v9 =	vmul.f32 v20, v2  }
0x2ed: {  	v16 =	vcvt.f32.s32 v16;
	v17 =	vcvt.f32.s32 v17;
	v12 =	vld.idx.msk [tilespmem:v12+s19+$0x0], $0xffff  }
0x2ee: {  	v11 =	vmul.f32 v11, v1;
	v27 =	vmul.f32 v8, v1;
	v8 =	vld [tilespmem:s10+$0xFFFFFFE0];
	v9 =	vadd.f32 v9, v3  }
0x2ef: {  	v23 =	vadd.f32 v23, v3;
	v18 =	vcvt.f32.s32 v18;
	v10 =	vmul.f32 v10, v1;
	v5 =	vld.idx.msk [tilespmem:v5+s19+$0x0], $0xffff  }
0x2f0: {  	v6 =	vmul.f32 v6, v1;
	v20 =	vld [tilespmem:s10+$0xFFFFFFF0];
	v11 =	vadd.f32 v11, v0;
	v9 =	vtrunc.f32 v9  }
0x2f1: {  	v26 =	vadd.f32 v10, v0;
	v7 =	vmul.f32 v7, v1;
	v24 =	vmul.f32 v4, v1  }
0x2f2: {  	s6 =	simm.s32 $0xC9F0;
	v6 =	vadd.f32 v6, v0;
	v10 =	vmul.f32 v12, v1;
	v12 =	vmul.f32 v21, v2;
	v21 =	vld [tilespmem:s10+$0xFFFFFF90]  }
0x2f3: {  	[tilespmem:s6+$0x0] =	vst v11;
	v8 =	vmul.f32 v8, v2;
	v63 =	vcvt.f32.s32 v9;
	v7 =	vadd.f32 v7, v0  }
0x2f4: {  	v4 =	vmul.f32 v5, v1;
	v5 =	vld.idx.msk [tilespmem:v19+s19+$0x0], $0xffff;
	v19 =	vadd.f32 v22, v3;
	v22 =	vmul.f32 v25, v2  }
0x2f5: {  	v11 =	vld.idx.msk [tilespmem:v15+s19+$0x0], $0xffff;
	v20 =	vmul.f32 v20, v2;
	v24 =	vadd.f32 v24, v0;
	[tilespmem:s6+$0xFFFFFFA0] =	vst v7;
	v7 =	vtrunc.f32 v23  }
0x2f6: {  	v9 =	vld.idx.msk [tilespmem:v14+s19+$0x0], $0xffff;
	v7 =	vcvt.f32.s32 v7;
	v14 =	vadd.f32 v22, v3;
	v19 =	vtrunc.f32 v19  }
0x2f7: {  	v29 =	vadd.f32 v10, v0;
	v12 =	vadd.f32 v12, v3;
	v10 =	vld.idx.msk [tilespmem:v13+s19+$0x0], $0xffff;
	v15 =	vmul.f32 v21, v2  }
0x2f8: {  	[tilespmem:s6+$0xFFFFFFB0] =	vst v6;
	v20 =	vadd.f32 v20, v3;
	v6 =	vcvt.f32.s32 v19;
	v13 =	vld.idx.msk [tilespmem:v16+s19+$0x0], $0xffff;
	v16 =	vtrunc.f32 v14  }
0x2f9: {  	[tilespmem:s6+$0xFFFFFF90] =	vst v26;
	v14 =	vld.idx.msk [tilespmem:v17+s19+$0x0], $0xffff;
	v12 =	vtrunc.f32 v12;
	v21 =	vadd.f32 v8, v3;
	v15 =	vadd.f32 v15, v3  }
0x2fa: {  	s3 =	simm.s32 $0xCBF0;
	[tilespmem:s6+$0xFFFFFFC0] =	vst v24;
	v19 =	vadd.f32 v27, v0;
	v8 =	vcvt.f32.s32 v12;
	v12 =	vld.idx.msk [tilespmem:v18+s19+$0x0], $0xffff;
	v18 =	vtrunc.f32 v20  }
0x2fb: {  	s7 =	simm.s32 $0x10;
	s9 =	simm.s32 $0x47F0;
	[tilespmem:s3+$0x0] =	vst v29;
	v20 =	vadd.f32 v28, v0;
	v17 =	vtrunc.f32 v21;
	v21 =	vtrunc.f32 v15;
	v15 =	vld.idx.msk [tilespmem:v63+s19+$0x0], $0xffff  }
.LBB2_21:
0x2fc: {  	v22 =	vld [tilespmem:s9+$0x0];
	s7 =	sadd.s32 $0x8, s7;
	v21 =	vcvt.f32.s32 v21;
	v16 =	vcvt.f32.s32 v16;
	[tilespmem:s6+$0xFFFFFFD0] =	vst v19;
	v4 =	vadd.f32 v4, v0  }
0x2fd: {  	v17 =	vcvt.f32.s32 v17;
	v18 =	vcvt.f32.s32 v18;
	v19 =	vld [tilespmem:s9+$0xFFFFFFA0];
	p0 =	slt.u32 s7, $0xF8;
	[tilespmem:s6+$0xFFFFFFE0] =	vst v20  }
0x2fe: {  	v5 =	vmul.f32 v5, v1;
	v10 =	vmul.f32 v10, v1;
	v20 =	vld [tilespmem:s9+$0xFFFFFFB0];
	[tilespmem:s6+$0xFFFFFFF0] =	vst v4;
	s6 =	smov.u32 s3  }
0x2ff: {  	v4 =	vmul.f32 v9, v1;
	v9 =	vmul.f32 v11, v1;
	v23 =	vld [tilespmem:s9+$0xFFFFFFC0]  }
0x300: {  	v24 =	vmul.f32 v13, v1;
	v25 =	vmul.f32 v14, v1;
	v5 =	vadd.f32 v5, v0;
	v11 =	vld [tilespmem:s9+$0xFFFFFFD0]  }
0x301: {  	v10 =	vadd.f32 v10, v0;
	v15 =	vmul.f32 v15, v1;
	v13 =	vld [tilespmem:s9+$0xFFFFFFE0];
	v14 =	vmul.f32 v22, v2  }
0x302: {  	v26 =	vadd.f32 v4, v0;
	v4 =	vmul.f32 v12, v1;
	v19 =	vmul.f32 v19, v2;
	v22 =	vld [tilespmem:s9+$0xFFFFFFF0];
	[tilespmem:s3+$0xFFFFFF90] =	vst v5  }
0x303: {  	v15 =	vadd.f32 v15, v0;
	v12 =	vld [tilespmem:s9+$0xFFFFFF90];
	v20 =	vmul.f32 v20, v2;
	v14 =	vadd.f32 v14, v3;
	[tilespmem:s3+$0xFFFFFFA0] =	vst v10  }
0x304: {  	s3 =	sadd.s32 $0x200, s3;
	v19 =	vadd.f32 v19, v3;
	v23 =	vmul.f32 v23, v2;
	v5 =	vld.idx.msk [tilespmem:v21+s19+$0x0], $0xffff;
	v21 =	vadd.f32 v9, v0  }
0x305: {  	v20 =	vadd.f32 v20, v3;
	v11 =	vmul.f32 v11, v2;
	v9 =	vtrunc.f32 v14;
	v10 =	vld.idx.msk [tilespmem:v8+s19+$0x0], $0xffff;
	[tilespmem:s3+$0x0] =	vst v15  }
0x306: {  	v8 =	vadd.f32 v23, v3;
	v13 =	vmul.f32 v13, v2;
	v15 =	vcvt.f32.s32 v9;
	v9 =	vld.idx.msk [tilespmem:v6+s19+$0x0], $0xffff;
	[tilespmem:s6+$0xFFFFFFB0] =	vst v26  }
0x307: {  	v6 =	vtrunc.f32 v19;
	v14 =	vadd.f32 v11, v3;
	v19 =	vmul.f32 v22, v2;
	v11 =	vld.idx.msk [tilespmem:v7+s19+$0x0], $0xffff;
	[tilespmem:s6+$0xFFFFFFC0] =	vst v21  }
.Ltmp12:
0x308: {  	v20 =	vtrunc.f32 v20;
	v7 =	vmul.f32 v12, v2;
	v12 =	vadd.f32 v13, v3;
	v13 =	vld.idx.msk [tilespmem:v16+s19+$0x0], $0xffff;
	(pc) =	sbr.rel @p0 .LBB2_21-.Ltmp12, $4  }
0x309: {  	v22 =	vtrunc.f32 v8;
	v16 =	vtrunc.f32 v14;
	v19 =	vadd.f32 v19, v3;
	v14 =	vld.idx.msk [tilespmem:v17+s19+$0x0], $0xffff  }
0x30a: {  	v8 =	vcvt.f32.s32 v6;
	v7 =	vadd.f32 v7, v3;
	v17 =	vtrunc.f32 v12;
	v12 =	vld.idx.msk [tilespmem:v18+s19+$0x0], $0xffff  }
0x30b: {  	v6 =	vcvt.f32.s32 v20;
	v18 =	vtrunc.f32 v19;
	v19 =	vadd.f32 v24, v0  }
0x30c: {  	s9 =	sadd.s32 $0x200, s9;
	v20 =	vadd.f32 v25, v0;
	v21 =	vtrunc.f32 v7;
	v7 =	vcvt.f32.s32 v22;
	v15 =	vld.idx.msk [tilespmem:v15+s19+$0x0], $0xffff  }
0x30d: {  	_ = 	snop  }
0x30e: {  	v2 =	vcvt.f32.s32 v21;
	v3 =	vmul.f32 v5, v1  }
0x30f: {  	v40 =	vcvt.f32.s32 v16;
	[tilespmem:s6+$0xFFFFFFD0] =	vst v19;
	v4 =	vadd.f32 v4, v0;
	v10 =	vmul.f32 v10, v1  }
0x310: {  	v41 =	vcvt.f32.s32 v17;
	v43 =	vmul.f32 v9, v1;
	[tilespmem:s6+$0xFFFFFFE0] =	vst v20;
	v3 =	vadd.f32 v3, v0  }
0x311: {  	v42 =	vcvt.f32.s32 v18;
	v45 =	vmul.f32 v11, v1;
	v8 =	vld.idx.msk [tilespmem:v8+s19+$0x0], $0xffff;
	[tilespmem:s6+$0xFFFFFFF0] =	vst v4;
	v44 =	vadd.f32 v10, v0  }
0x312: {  	v47 =	vmul.f32 v13, v1;
	v6 =	vld.idx.msk [tilespmem:v6+s19+$0x0], $0xffff;
	v4 =	vadd.f32 v43, v0;
	[tilespmem:s3+$0xFFFFFF90] =	vst v3  }
0x313: {  	v48 =	vmul.f32 v14, v1;
	v49 =	vld.idx.msk [tilespmem:v7+s19+$0x0], $0xffff;
	v10 =	vadd.f32 v45, v0;
	[tilespmem:s3+$0xFFFFFFA0] =	vst v44  }
0x314: {  	v50 =	vmul.f32 v12, v1;
	v52 =	vadd.f32 v47, v0;
	[tilespmem:s3+$0xFFFFFFB0] =	vst v4;
	v2 =	vld.idx.msk [tilespmem:v2+s19+$0x0], $0xffff  }
0x315: {  	v9 =	vadd.f32 v48, v0;
	v15 =	vmul.f32 v15, v1;
	[tilespmem:s3+$0xFFFFFFC0] =	vst v10;
	v51 =	vld.idx.msk [tilespmem:v40+s19+$0x0], $0xffff  }
0x316: {  	[tilespmem:s3+$0xFFFFFFD0] =	vst v52;
	v55 =	vadd.f32 v50, v0;
	v56 =	vmul.f32 v8, v1;
	v53 =	vld.idx.msk [tilespmem:v41+s19+$0x0], $0xffff  }
0x317: {  	[tilespmem:s3+$0xFFFFFFE0] =	vst v9;
	v6 =	vmul.f32 v6, v1;
	v46 =	vadd.f32 v15, v0;
	v54 =	vld.idx.msk [tilespmem:v42+s19+$0x0], $0xffff  }
0x318: {  	s10 =	sadd.s32 $0x200, s3;
	[tilespmem:s3+$0xFFFFFFF0] =	vst v55;
	v3 =	vmul.f32 v49, v1;
	v57 =	vadd.f32 v56, v0  }
0x319: {  	v58 =	vadd.f32 v6, v0;
	[tilespmem:s10+$0x0] =	vst v46;
	v2 =	vmul.f32 v2, v1  }
0x31a: {  	v3 =	vadd.f32 v3, v0;
	[tilespmem:s10+$0xFFFFFFA0] =	vst v57;
	v4 =	vmul.f32 v51, v1  }
0x31b: {  	[tilespmem:s10+$0xFFFFFFB0] =	vst v58;
	v59 =	vmul.f32 v53, v1;
	v2 =	vadd.f32 v2, v0  }
0x31c: {  	p0 =	seq.s32 s31, $0x7;
	[tilespmem:s10+$0xFFFFFFC0] =	vst v3;
	v60 =	vmul.f32 v54, v1;
	v61 =	vadd.f32 v4, v0  }
.Ltmp13:
0x31d: {  	v62 =	vadd.f32 v59, v0;
	[tilespmem:s10+$0xFFFFFF90] =	vst v2;
	(pc) =	sbr.rel @p0 .LBB2_24-.Ltmp13, $4  }
0x31e: {  	v63 =	vadd.f32 v60, v0;
	[tilespmem:s10+$0xFFFFFFD0] =	vst v61  }
0x31f: {  	[tilespmem:s10+$0xFFFFFFE0] =	vst v62  }
0x320: {  	s1 =	sadd.s32 s1, s12;
	[tilespmem:s10+$0xFFFFFFF0] =	vst v63  }
0x321: {  	[hbm4b:s1+s20] =	stream.strided.scatter [tilespmem:s28], [sflag:$0x4], $0x4000, s21, s20, $0x38;
	[tilespmem:$0x10980] =	vst v63  }
.Ltmp14:
0x322: {  	(pc) =	sbr.rel .LBB2_2-.Ltmp14, $3  }
0x323: {  	_ =	sdelay $0x1  }
0x324: {  	s0 =	sadd.s32 s0, s13;
	s31 =	sadd.s32 $0x1, s31  }
0x325: {  	[tilespmem:s22], [sflag:$0x2] =	stream.strided.gather [hbm4b:s0+s20], $0x4000, s21, s20, $0x38;
	[tilespmem:$0x10980] =	vst v63  }
.LBB2_25:
0x326: {  	_ =	sfence.sel $0x180000  }
0x327: {  	[bflag:$0x0] =	sbarrier.arrive $0xFFFF  }
0x328: {  	_ =	strace $0x90000047  }
0x329: {  	s0 =	stileid.u32;
	[bflag:$0x2] =	sbarrier.arrive $0xFFFF  }
0x32a: {  	p0 =	sne.s32 s0, $0x0;
	s0 =	rddreg [dreg:$0x6]  }
0x32b: {  	s0 =	sadd.s32 @!p0 $0x100000, s0  }
0x32c: {  	[sflag:s0] =	ssyncadd.tile.s32 @!p0 $0x1;
	_ =	shalt  }
.Lfunc_end2:
_tile_overlayer_lowered:
.L_overlay_start_2:
0x32d: {  	(tag) =	ssettag $0x2  }
0x32e: {  	s0 =	rddreg [dreg:$0x0];
	s2 =	stileid.u32  }
0x32f: {  	s1 =	rddreg [dreg:$0x1];
	p0 =	sne.s32 s2, $0x0  }
0x330: {  	s3 =	rddreg [dreg:$0x2];
	[bflag:$0x3] =	sbarrier.arrive $0xFFFF;
	s2 =	simm.s32 @!p0 $0x1C05  }
0x331: {  	[timem:s3], [sflag:s2] =	dma.local @!p0 [hbm:s0], s1  }
0x332: {  	s0 =	simm.s32 @!p0 $0x5  }
0x333: {  	_ =	swait.ge @!p0 [sflag:s0], s1  }
0x334: {  	s1 =	ssub.s32 @!p0 $0x0, s1;
	[sflag:s0] =	ssyncset.done @!p0 $0x0  }
0x335: {  	[sflag:s0] =	ssyncadd.s32 @!p0 s1  }
0x336: {  	[bflag:$0x3] =	sbarrier.arrive $0xFFFF  }
0x337: {  	_ =	shalt  }

</sc_bundles>
